<compile_context>
chip_gen: v7x
topology: tpu7x:2x2x1
jax: 0.10.2.dev20260603
libtpu: 0.0.44.dev20260713+nightly
codegen_flags: <defaults>
</compile_context>

<pallas_src>
import functools

import jax
import jax.numpy as jnp
from jax import lax
from jax.experimental import pallas as pl
from jax.experimental.pallas import tpu as pltpu
from jax.experimental.pallas import tpu_sc as plsc

VOCAB = 2548
DIM = 1000
BATCH = 4096

ROWS = 8
NCHUNKS = DIM // ROWS
LANES = 16


def _make_embedding_kernel():
    info = plsc.get_sparse_core_info()
    num_cores, num_subcores = info.num_cores, info.num_subcores
    num_workers = num_cores * num_subcores
    max_chunks = -(-NCHUNKS // num_workers)

    mesh = plsc.VectorSubcoreMesh(core_axis_name="c", subcore_axis_name="s")

    @functools.partial(
        pl.kernel,
        mesh=mesh,
        out_type=jax.ShapeDtypeStruct((DIM, BATCH), jnp.float32),
        scratch_types=[
            pltpu.VMEM((BATCH,), jnp.int32),
            [pltpu.VMEM((ROWS, VOCAB), jnp.float32) for _ in range(2)],
            [pltpu.VMEM((ROWS, BATCH), jnp.float32) for _ in range(2)],
            pltpu.SemaphoreType.DMA,
            [pltpu.SemaphoreType.DMA for _ in range(2)],
            [pltpu.SemaphoreType.DMA for _ in range(2)],
        ],
        compiler_params=pltpu.CompilerParams(needs_layout_passes=False),
    )
    def emb(x_hbm, wt_hbm, out_hbm, idx_v, in_ts, out_fs, xsem, gsems, wsems):
        wid = lax.axis_index("s") * num_cores + lax.axis_index("c")
        pltpu.async_copy(x_hbm, idx_v, xsem)

        rows_splat = [jnp.full((LANES,), r, jnp.int32) for r in range(ROWS)]

        def cval(k):
            return wid + k * num_workers

        def in_slab(k):
            return wt_hbm.at[pl.ds(cval(k) * ROWS, ROWS)]

        def out_slab(k):
            return out_hbm.at[pl.ds(cval(k) * ROWS, ROWS)]

        pltpu.async_copy(in_slab(0), in_ts[0], gsems[0])
        pltpu.make_async_copy(x_hbm, idx_v, xsem).wait()

        def do_chunk(k):
            if k + 1 < max_chunks:

                def prefetch():
                    pltpu.async_copy(
                        in_slab(k + 1), in_ts[(k + 1) % 2], gsems[(k + 1) % 2]
                    )

                if k + 2 == max_chunks:
                    pl.when(cval(k + 1) < NCHUNKS)(prefetch)
                else:
                    prefetch()

            pltpu.make_async_copy(in_slab(k), in_ts[k % 2], gsems[k % 2]).wait()
            if k >= 2:
                pltpu.make_async_copy(
                    out_fs[k % 2], out_slab(k - 2), wsems[k % 2]
                ).wait()

            in_t = in_ts[k % 2]
            out_f = out_fs[k % 2]

            @plsc.parallel_loop(0, BATCH // LANES, unroll=4)
            def _gather(j):
                cols = idx_v[pl.ds(j * LANES, LANES)]
                for r in range(ROWS):
                    v = plsc.load_gather(in_t, [rows_splat[r], cols])
                    out_f[r, pl.ds(j * LANES, LANES)] = v

            pltpu.async_copy(out_f, out_slab(k), wsems[k % 2])

        for k in range(max_chunks):
            if k == max_chunks - 1:

                def last_chunk(k=k):
                    do_chunk(k)

                pl.when(cval(k) < NCHUNKS)(last_chunk)
            else:
                do_chunk(k)

        for k in range(max_chunks):
            if k + 2 < max_chunks - 1:
                continue
            if k + 2 == max_chunks - 1:
                cond = (cval(k) < NCHUNKS) & (cval(k + 2) >= NCHUNKS)
            else:
                cond = cval(k) < NCHUNKS

            def drain(k=k):
                pltpu.make_async_copy(
                    out_fs[k % 2], out_slab(k), wsems[k % 2]
                ).wait()

            pl.when(cond)(drain)

    return emb


_emb = _make_embedding_kernel()


def kernel(x, weight):
    out_t = _emb(x.astype(jnp.int32), weight.T)
    return out_t.T

# --- scband reference (transcript-rebuilt; emitter-appended) ---
"""Pipeline reference for scband-embedding-80075370266911 (READ-ONLY COPY).

The authoritative reference and input builder live on the scoring server;
editing this copy changes nothing except your own understanding.
"""

import jax, jax.numpy as jnp
import numpy as np

VOCA_SIZE = 2548
EMBED_SIZE = 1000
BATCH = 4096

def setup_inputs(seed: int = 0) -> dict:
    key = jax.random.key(seed)
    k1, k2 = jax.random.split(key)
    x = jax.random.randint(k1, (BATCH,), 0, VOCA_SIZE, dtype=jnp.int64 if jax.config.jax_enable_x64 else jnp.int32)
    # kaiming_uniform_ with a=sqrt(5): bound = sqrt(6 / ((1 + a^2) * fan_in)) = 1/sqrt(fan_in)
    fan_in = EMBED_SIZE
    bound = 1.0 / np.sqrt(fan_in)
    weight = jax.random.uniform(k2, (VOCA_SIZE, EMBED_SIZE), dtype=jnp.float32, minval=-bound, maxval=bound)
    return {"x": x, "weight": weight}

def reference(x, weight):
    # Faithful translation: one-hot via identity matrix gather, then matmul.
    mat = jnp.eye(VOCA_SIZE, dtype=jnp.float32)
    oh = jnp.take(mat, x, axis=0)            # [B, VOCA_SIZE]
    embedding = jnp.matmul(oh, weight)       # [B, EMBED_SIZE]
    return embedding.reshape((oh.shape[0], -1))

if __name__ == "__main__":
    import jax
    _d = setup_inputs()
    print(jax.jit(kernel)(*tuple(_d.values())))

</pallas_src>

<mosaic_0001>
#map = affine_map<(d0, d1) -> (0)>
#map1 = affine_map<(d0, d1) -> (0, 0)>
module attributes {stable_mosaic.version = 14 : i64} {
  func.func @emb(%arg0: i32, %arg1: i32, %arg2: memref<4096xi32, #tpu.memory_space<hbm>>, %arg3: memref<1000x2548xf32, #tpu.memory_space<hbm>>, %arg4: memref<1000x4096xf32, #tpu.memory_space<hbm>>, %arg5: memref<4096xi32, #tpu.memory_space<vmem>>, %arg6: memref<8x2548xf32, #tpu.memory_space<vmem>>, %arg7: memref<8x2548xf32, #tpu.memory_space<vmem>>, %arg8: memref<8x4096xf32, #tpu.memory_space<vmem>>, %arg9: memref<8x4096xf32, #tpu.memory_space<vmem>>, %arg10: memref<!tpu.dma_semaphore, #tpu.memory_space<semaphore_mem>>, %arg11: memref<!tpu.dma_semaphore, #tpu.memory_space<semaphore_mem>>, %arg12: memref<!tpu.dma_semaphore, #tpu.memory_space<semaphore_mem>>, %arg13: memref<!tpu.dma_semaphore, #tpu.memory_space<semaphore_mem>>, %arg14: memref<!tpu.dma_semaphore, #tpu.memory_space<semaphore_mem>>) attributes {dimension_semantics = [#tpu.dimension_semantics<core_parallel>, #tpu.dimension_semantics<subcore_parallel>], iteration_bounds = array<i64: 2, 16>, scalar_prefetch = 0 : i64, scratch_operands = 10 : i64, tpu.core_type = #tpu.core_type<sc_vector_subcore>, window_params = [{transform_indices = #map}, {transform_indices = #map1}, {transform_indices = #map1}]} {
    %mul3A = arith.constant 2 : i32
    %mul3A_0 = arith.muli %arg1, %mul3A : i32
    %add3A = arith.addi %mul3A_0, %arg0 : i32
    tpu.enqueue_dma source(%arg2 : memref<4096xi32, #tpu.memory_space<hbm>>) target(%arg5 : memref<4096xi32, #tpu.memory_space<vmem>>) target_semaphore(%arg10 : memref<!tpu.dma_semaphore, #tpu.memory_space<semaphore_mem>>)
    %broadcast_in_dim3A = arith.constant 0 : i32
    %broadcast_in_dim3A_1 = vector.broadcast %broadcast_in_dim3A : i32 to vector<16xi32>
    %broadcast_in_dim3A_2 = arith.constant 1 : i32
    %broadcast_in_dim3A_3 = vector.broadcast %broadcast_in_dim3A_2 : i32 to vector<16xi32>
    %broadcast_in_dim3A_4 = arith.constant 2 : i32
    %broadcast_in_dim3A_5 = vector.broadcast %broadcast_in_dim3A_4 : i32 to vector<16xi32>
    %broadcast_in_dim3A_6 = arith.constant 3 : i32
    %broadcast_in_dim3A_7 = vector.broadcast %broadcast_in_dim3A_6 : i32 to vector<16xi32>
    %broadcast_in_dim3A_8 = arith.constant 4 : i32
    %broadcast_in_dim3A_9 = vector.broadcast %broadcast_in_dim3A_8 : i32 to vector<16xi32>
    %broadcast_in_dim3A_10 = arith.constant 5 : i32
    %broadcast_in_dim3A_11 = vector.broadcast %broadcast_in_dim3A_10 : i32 to vector<16xi32>
    %broadcast_in_dim3A_12 = arith.constant 6 : i32
    %broadcast_in_dim3A_13 = vector.broadcast %broadcast_in_dim3A_12 : i32 to vector<16xi32>
    %broadcast_in_dim3A_14 = arith.constant 7 : i32
    %broadcast_in_dim3A_15 = vector.broadcast %broadcast_in_dim3A_14 : i32 to vector<16xi32>
    %add3A_16 = arith.constant 0 : i32
    %add3A_17 = arith.addi %add3A, %add3A_16 : i32
    %mul3A_18 = arith.constant 8 : i32
    %mul3A_19 = arith.muli %add3A_17, %mul3A_18 : i32
    %dma_start3A = arith.constant 0 : i32
    %dma_start3A_20 = tpu.memref_slice %arg3[%mul3A_19, %dma_start3A] : memref<1000x2548xf32, #tpu.memory_space<hbm>> -> memref<8x2548xf32, #tpu.memory_space<hbm>>
    %dma_start3A_21 = arith.constant 0 : i32
    %dma_start3A_22 = tpu.memref_slice %arg3[%mul3A_19, %dma_start3A_21] : memref<1000x2548xf32, #tpu.memory_space<hbm>> -> memref<8x2548xf32, #tpu.memory_space<hbm>>
    tpu.enqueue_dma source(%dma_start3A_22 : memref<8x2548xf32, #tpu.memory_space<hbm>>) target(%arg6 : memref<8x2548xf32, #tpu.memory_space<vmem>>) target_semaphore(%arg11 : memref<!tpu.dma_semaphore, #tpu.memory_space<semaphore_mem>>)
    tpu.wait_dma2 semaphore(%arg10 : memref<!tpu.dma_semaphore, #tpu.memory_space<semaphore_mem>>) src(%arg2 : memref<4096xi32, #tpu.memory_space<hbm>>) dst(%arg5 : memref<4096xi32, #tpu.memory_space<vmem>>)
    %add3A_23 = arith.constant 32 : i32
    %add3A_24 = arith.addi %add3A, %add3A_23 : i32
    %mul3A_25 = arith.constant 8 : i32
    %mul3A_26 = arith.muli %add3A_24, %mul3A_25 : i32
    %dma_start3A_27 = arith.constant 0 : i32
    %dma_start3A_28 = tpu.memref_slice %arg3[%mul3A_26, %dma_start3A_27] : memref<1000x2548xf32, #tpu.memory_space<hbm>> -> memref<8x2548xf32, #tpu.memory_space<hbm>>
    %dma_start3A_29 = arith.constant 0 : i32
    %dma_start3A_30 = tpu.memref_slice %arg3[%mul3A_26, %dma_start3A_29] : memref<1000x2548xf32, #tpu.memory_space<hbm>> -> memref<8x2548xf32, #tpu.memory_space<hbm>>
    tpu.enqueue_dma source(%dma_start3A_30 : memref<8x2548xf32, #tpu.memory_space<hbm>>) target(%arg7 : memref<8x2548xf32, #tpu.memory_space<vmem>>) target_semaphore(%arg12 : memref<!tpu.dma_semaphore, #tpu.memory_space<semaphore_mem>>)
    %add3A_31 = arith.constant 0 : i32
    %add3A_32 = arith.addi %add3A, %add3A_31 : i32
    %mul3A_33 = arith.constant 8 : i32
    %mul3A_34 = arith.muli %add3A_32, %mul3A_33 : i32
    %dma_wait3A = arith.constant 0 : i32
    %dma_wait3A_35 = tpu.memref_slice %arg3[%mul3A_34, %dma_wait3A] : memref<1000x2548xf32, #tpu.memory_space<hbm>> -> memref<8x2548xf32, #tpu.memory_space<hbm>>
    %dma_wait3A_36 = arith.constant 0 : i32
    %dma_wait3A_37 = tpu.memref_slice %arg3[%mul3A_34, %dma_wait3A_36] : memref<1000x2548xf32, #tpu.memory_space<hbm>> -> memref<8x2548xf32, #tpu.memory_space<hbm>>
    tpu.wait_dma2 semaphore(%arg11 : memref<!tpu.dma_semaphore, #tpu.memory_space<semaphore_mem>>) src(%dma_wait3A_37 : memref<8x2548xf32, #tpu.memory_space<hbm>>) dst(%arg6 : memref<8x2548xf32, #tpu.memory_space<vmem>>)
    %parallel_loop3A = arith.constant 0 : i32
    %parallel_loop3A_38 = arith.constant 256 : i32
    %parallel_loop3A_39 = arith.constant 1 : i32
    scf.for %parallel_loop3A_137 = %parallel_loop3A to %parallel_loop3A_38 step %parallel_loop3A_39  : i32 {
      %parallel_loop3A_138 = arith.constant 16 : i32
      %parallel_loop3A_139 = arith.muli %parallel_loop3A_137, %parallel_loop3A_138 : i32
      %parallel_loop3A_140 = arith.index_cast %parallel_loop3A_139 : i32 to index
      %parallel_loop3A_141 = tpu.vector_load %arg5[%parallel_loop3A_140] {strides = array<i32>} : memref<4096xi32, #tpu.memory_space<vmem>>, vector<16xi32>,
      %parallel_loop3A_142 = tpu.vector_load_idx %arg6[%broadcast_in_dim3A_1, %parallel_loop3A_141] : memref<8x2548xf32, #tpu.memory_space<vmem>>[vector<16xi32>, vector<16xi32>], vector<16xf32>,
      %parallel_loop3A_143 = arith.constant 16 : i32
      %parallel_loop3A_144 = arith.muli %parallel_loop3A_137, %parallel_loop3A_143 : i32
      %parallel_loop3A_145 = arith.constant 0 : i32
      %parallel_loop3A_146 = arith.index_cast %parallel_loop3A_145 : i32 to index
      %parallel_loop3A_147 = arith.index_cast %parallel_loop3A_144 : i32 to index
      %parallel_loop3A_148 = tpu.vector_load %arg8[%parallel_loop3A_146, %parallel_loop3A_147] {strides = array<i32>} : memref<8x4096xf32, #tpu.memory_space<vmem>>, vector<16xf32>,
      tpu.vector_store %arg8[%parallel_loop3A_146, %parallel_loop3A_147], %parallel_loop3A_142 {strides = array<i32>} : memref<8x4096xf32, #tpu.memory_space<vmem>>, vector<16xf32>,
      %parallel_loop3A_149 = tpu.vector_load_idx %arg6[%broadcast_in_dim3A_3, %parallel_loop3A_141] : memref<8x2548xf32, #tpu.memory_space<vmem>>[vector<16xi32>, vector<16xi32>], vector<16xf32>,
      %parallel_loop3A_150 = arith.constant 16 : i32
      %parallel_loop3A_151 = arith.muli %parallel_loop3A_137, %parallel_loop3A_150 : i32
      %parallel_loop3A_152 = arith.constant 1 : i32
      %parallel_loop3A_153 = arith.index_cast %parallel_loop3A_152 : i32 to index
      %parallel_loop3A_154 = arith.index_cast %parallel_loop3A_151 : i32 to index
      %parallel_loop3A_155 = tpu.vector_load %arg8[%parallel_loop3A_153, %parallel_loop3A_154] {strides = array<i32>} : memref<8x4096xf32, #tpu.memory_space<vmem>>, vector<16xf32>,
      tpu.vector_store %arg8[%parallel_loop3A_153, %parallel_loop3A_154], %parallel_loop3A_149 {strides = array<i32>} : memref<8x4096xf32, #tpu.memory_space<vmem>>, vector<16xf32>,
      %parallel_loop3A_156 = tpu.vector_load_idx %arg6[%broadcast_in_dim3A_5, %parallel_loop3A_141] : memref<8x2548xf32, #tpu.memory_space<vmem>>[vector<16xi32>, vector<16xi32>], vector<16xf32>,
      %parallel_loop3A_157 = arith.constant 16 : i32
      %parallel_loop3A_158 = arith.muli %parallel_loop3A_137, %parallel_loop3A_157 : i32
      %parallel_loop3A_159 = arith.constant 2 : i32
      %parallel_loop3A_160 = arith.index_cast %parallel_loop3A_159 : i32 to index
      %parallel_loop3A_161 = arith.index_cast %parallel_loop3A_158 : i32 to index
      %parallel_loop3A_162 = tpu.vector_load %arg8[%parallel_loop3A_160, %parallel_loop3A_161] {strides = array<i32>} : memref<8x4096xf32, #tpu.memory_space<vmem>>, vector<16xf32>,
      tpu.vector_store %arg8[%parallel_loop3A_160, %parallel_loop3A_161], %parallel_loop3A_156 {strides = array<i32>} : memref<8x4096xf32, #tpu.memory_space<vmem>>, vector<16xf32>,
      %parallel_loop3A_163 = tpu.vector_load_idx %arg6[%broadcast_in_dim3A_7, %parallel_loop3A_141] : memref<8x2548xf32, #tpu.memory_space<vmem>>[vector<16xi32>, vector<16xi32>], vector<16xf32>,
      %parallel_loop3A_164 = arith.constant 16 : i32
      %parallel_loop3A_165 = arith.muli %parallel_loop3A_137, %parallel_loop3A_164 : i32
      %parallel_loop3A_166 = arith.constant 3 : i32
      %parallel_loop3A_167 = arith.index_cast %parallel_loop3A_166 : i32 to index
      %parallel_loop3A_168 = arith.index_cast %parallel_loop3A_165 : i32 to index
      %parallel_loop3A_169 = tpu.vector_load %arg8[%parallel_loop3A_167, %parallel_loop3A_168] {strides = array<i32>} : memref<8x4096xf32, #tpu.memory_space<vmem>>, vector<16xf32>,
      tpu.vector_store %arg8[%parallel_loop3A_167, %parallel_loop3A_168], %parallel_loop3A_163 {strides = array<i32>} : memref<8x4096xf32, #tpu.memory_space<vmem>>, vector<16xf32>,
      %parallel_loop3A_170 = tpu.vector_load_idx %arg6[%broadcast_in_dim3A_9, %parallel_loop3A_141] : memref<8x2548xf32, #tpu.memory_space<vmem>>[vector<16xi32>, vector<16xi32>], vector<16xf32>,
      %parallel_loop3A_171 = arith.constant 16 : i32
      %parallel_loop3A_172 = arith.muli %parallel_loop3A_137, %parallel_loop3A_171 : i32
      %parallel_loop3A_173 = arith.constant 4 : i32
      %parallel_loop3A_174 = arith.index_cast %parallel_loop3A_173 : i32 to index
      %parallel_loop3A_175 = arith.index_cast %parallel_loop3A_172 : i32 to index
      %parallel_loop3A_176 = tpu.vector_load %arg8[%parallel_loop3A_174, %parallel_loop3A_175] {strides = array<i32>} : memref<8x4096xf32, #tpu.memory_space<vmem>>, vector<16xf32>,
      tpu.vector_store %arg8[%parallel_loop3A_174, %parallel_loop3A_175], %parallel_loop3A_170 {strides = array<i32>} : memref<8x4096xf32, #tpu.memory_space<vmem>>, vector<16xf32>,
      %parallel_loop3A_177 = tpu.vector_load_idx %arg6[%broadcast_in_dim3A_11, %parallel_loop3A_141] : memref<8x2548xf32, #tpu.memory_space<vmem>>[vector<16xi32>, vector<16xi32>], vector<16xf32>,
      %parallel_loop3A_178 = arith.constant 16 : i32
      %parallel_loop3A_179 = arith.muli %parallel_loop3A_137, %parallel_loop3A_178 : i32
      %parallel_loop3A_180 = arith.constant 5 : i32
      %parallel_loop3A_181 = arith.index_cast %parallel_loop3A_180 : i32 to index
      %parallel_loop3A_182 = arith.index_cast %parallel_loop3A_179 : i32 to index
      %parallel_loop3A_183 = tpu.vector_load %arg8[%parallel_loop3A_181, %parallel_loop3A_182] {strides = array<i32>} : memref<8x4096xf32, #tpu.memory_space<vmem>>, vector<16xf32>,
      tpu.vector_store %arg8[%parallel_loop3A_181, %parallel_loop3A_182], %parallel_loop3A_177 {strides = array<i32>} : memref<8x4096xf32, #tpu.memory_space<vmem>>, vector<16xf32>,
      %parallel_loop3A_184 = tpu.vector_load_idx %arg6[%broadcast_in_dim3A_13, %parallel_loop3A_141] : memref<8x2548xf32, #tpu.memory_space<vmem>>[vector<16xi32>, vector<16xi32>], vector<16xf32>,
      %parallel_loop3A_185 = arith.constant 16 : i32
      %parallel_loop3A_186 = arith.muli %parallel_loop3A_137, %parallel_loop3A_185 : i32
      %parallel_loop3A_187 = arith.constant 6 : i32
      %parallel_loop3A_188 = arith.index_cast %parallel_loop3A_187 : i32 to index
      %parallel_loop3A_189 = arith.index_cast %parallel_loop3A_186 : i32 to index
      %parallel_loop3A_190 = tpu.vector_load %arg8[%parallel_loop3A_188, %parallel_loop3A_189] {strides = array<i32>} : memref<8x4096xf32, #tpu.memory_space<vmem>>, vector<16xf32>,
      tpu.vector_store %arg8[%parallel_loop3A_188, %parallel_loop3A_189], %parallel_loop3A_184 {strides = array<i32>} : memref<8x4096xf32, #tpu.memory_space<vmem>>, vector<16xf32>,
      %parallel_loop3A_191 = tpu.vector_load_idx %arg6[%broadcast_in_dim3A_15, %parallel_loop3A_141] : memref<8x2548xf32, #tpu.memory_space<vmem>>[vector<16xi32>, vector<16xi32>], vector<16xf32>,
      %parallel_loop3A_192 = arith.constant 16 : i32
      %parallel_loop3A_193 = arith.muli %parallel_loop3A_137, %parallel_loop3A_192 : i32
      %parallel_loop3A_194 = arith.constant 7 : i32
      %parallel_loop3A_195 = arith.index_cast %parallel_loop3A_194 : i32 to index
      %parallel_loop3A_196 = arith.index_cast %parallel_loop3A_193 : i32 to index
      %parallel_loop3A_197 = tpu.vector_load %arg8[%parallel_loop3A_195, %parallel_loop3A_196] {strides = array<i32>} : memref<8x4096xf32, #tpu.memory_space<vmem>>, vector<16xf32>,
      tpu.vector_store %arg8[%parallel_loop3A_195, %parallel_loop3A_196], %parallel_loop3A_191 {strides = array<i32>} : memref<8x4096xf32, #tpu.memory_space<vmem>>, vector<16xf32>,
    } {sc.loop_unroll_factor = 4 : i64, sc.parallel_access}
    %add3A_40 = arith.constant 0 : i32
    %add3A_41 = arith.addi %add3A, %add3A_40 : i32
    %mul3A_42 = arith.constant 8 : i32
    %mul3A_43 = arith.muli %add3A_41, %mul3A_42 : i32
    %dma_start3A_44 = arith.constant 0 : i32
    %dma_start3A_45 = tpu.memref_slice %arg4[%mul3A_43, %dma_start3A_44] : memref<1000x4096xf32, #tpu.memory_space<hbm>> -> memref<8x4096xf32, #tpu.memory_space<hbm>>
    %dma_start3A_46 = arith.constant 0 : i32
    %dma_start3A_47 = tpu.memref_slice %arg4[%mul3A_43, %dma_start3A_46] : memref<1000x4096xf32, #tpu.memory_space<hbm>> -> memref<8x4096xf32, #tpu.memory_space<hbm>>
    tpu.enqueue_dma source(%arg8 : memref<8x4096xf32, #tpu.memory_space<vmem>>) target(%dma_start3A_47 : memref<8x4096xf32, #tpu.memory_space<hbm>>) target_semaphore(%arg13 : memref<!tpu.dma_semaphore, #tpu.memory_space<semaphore_mem>>)
    %add3A_48 = arith.constant 64 : i32
    %add3A_49 = arith.addi %add3A, %add3A_48 : i32
    %mul3A_50 = arith.constant 8 : i32
    %mul3A_51 = arith.muli %add3A_49, %mul3A_50 : i32
    %dma_start3A_52 = arith.constant 0 : i32
    %dma_start3A_53 = tpu.memref_slice %arg3[%mul3A_51, %dma_start3A_52] : memref<1000x2548xf32, #tpu.memory_space<hbm>> -> memref<8x2548xf32, #tpu.memory_space<hbm>>
    %dma_start3A_54 = arith.constant 0 : i32
    %dma_start3A_55 = tpu.memref_slice %arg3[%mul3A_51, %dma_start3A_54] : memref<1000x2548xf32, #tpu.memory_space<hbm>> -> memref<8x2548xf32, #tpu.memory_space<hbm>>
    tpu.enqueue_dma source(%dma_start3A_55 : memref<8x2548xf32, #tpu.memory_space<hbm>>) target(%arg6 : memref<8x2548xf32, #tpu.memory_space<vmem>>) target_semaphore(%arg11 : memref<!tpu.dma_semaphore, #tpu.memory_space<semaphore_mem>>)
    %add3A_56 = arith.constant 32 : i32
    %add3A_57 = arith.addi %add3A, %add3A_56 : i32
    %mul3A_58 = arith.constant 8 : i32
    %mul3A_59 = arith.muli %add3A_57, %mul3A_58 : i32
    %dma_wait3A_60 = arith.constant 0 : i32
    %dma_wait3A_61 = tpu.memref_slice %arg3[%mul3A_59, %dma_wait3A_60] : memref<1000x2548xf32, #tpu.memory_space<hbm>> -> memref<8x2548xf32, #tpu.memory_space<hbm>>
    %dma_wait3A_62 = arith.constant 0 : i32
    %dma_wait3A_63 = tpu.memref_slice %arg3[%mul3A_59, %dma_wait3A_62] : memref<1000x2548xf32, #tpu.memory_space<hbm>> -> memref<8x2548xf32, #tpu.memory_space<hbm>>
    tpu.wait_dma2 semaphore(%arg12 : memref<!tpu.dma_semaphore, #tpu.memory_space<semaphore_mem>>) src(%dma_wait3A_63 : memref<8x2548xf32, #tpu.memory_space<hbm>>) dst(%arg7 : memref<8x2548xf32, #tpu.memory_space<vmem>>)
    %parallel_loop3A_64 = arith.constant 0 : i32
    %parallel_loop3A_65 = arith.constant 256 : i32
    %parallel_loop3A_66 = arith.constant 1 : i32
    scf.for %parallel_loop3A_137 = %parallel_loop3A_64 to %parallel_loop3A_65 step %parallel_loop3A_66  : i32 {
      %parallel_loop3A_138 = arith.constant 16 : i32
      %parallel_loop3A_139 = arith.muli %parallel_loop3A_137, %parallel_loop3A_138 : i32
      %parallel_loop3A_140 = arith.index_cast %parallel_loop3A_139 : i32 to index
      %parallel_loop3A_141 = tpu.vector_load %arg5[%parallel_loop3A_140] {strides = array<i32>} : memref<4096xi32, #tpu.memory_space<vmem>>, vector<16xi32>,
      %parallel_loop3A_142 = tpu.vector_load_idx %arg7[%broadcast_in_dim3A_1, %parallel_loop3A_141] : memref<8x2548xf32, #tpu.memory_space<vmem>>[vector<16xi32>, vector<16xi32>], vector<16xf32>,
      %parallel_loop3A_143 = arith.constant 16 : i32
      %parallel_loop3A_144 = arith.muli %parallel_loop3A_137, %parallel_loop3A_143 : i32
      %parallel_loop3A_145 = arith.constant 0 : i32
      %parallel_loop3A_146 = arith.index_cast %parallel_loop3A_145 : i32 to index
      %parallel_loop3A_147 = arith.index_cast %parallel_loop3A_144 : i32 to index
      %parallel_loop3A_148 = tpu.vector_load %arg9[%parallel_loop3A_146, %parallel_loop3A_147] {strides = array<i32>} : memref<8x4096xf32, #tpu.memory_space<vmem>>, vector<16xf32>,
      tpu.vector_store %arg9[%parallel_loop3A_146, %parallel_loop3A_147], %parallel_loop3A_142 {strides = array<i32>} : memref<8x4096xf32, #tpu.memory_space<vmem>>, vector<16xf32>,
      %parallel_loop3A_149 = tpu.vector_load_idx %arg7[%broadcast_in_dim3A_3, %parallel_loop3A_141] : memref<8x2548xf32, #tpu.memory_space<vmem>>[vector<16xi32>, vector<16xi32>], vector<16xf32>,
      %parallel_loop3A_150 = arith.constant 16 : i32
      %parallel_loop3A_151 = arith.muli %parallel_loop3A_137, %parallel_loop3A_150 : i32
      %parallel_loop3A_152 = arith.constant 1 : i32
      %parallel_loop3A_153 = arith.index_cast %parallel_loop3A_152 : i32 to index
      %parallel_loop3A_154 = arith.index_cast %parallel_loop3A_151 : i32 to index
      %parallel_loop3A_155 = tpu.vector_load %arg9[%parallel_loop3A_153, %parallel_loop3A_154] {strides = array<i32>} : memref<8x4096xf32, #tpu.memory_space<vmem>>, vector<16xf32>,
      tpu.vector_store %arg9[%parallel_loop3A_153, %parallel_loop3A_154], %parallel_loop3A_149 {strides = array<i32>} : memref<8x4096xf32, #tpu.memory_space<vmem>>, vector<16xf32>,
      %parallel_loop3A_156 = tpu.vector_load_idx %arg7[%broadcast_in_dim3A_5, %parallel_loop3A_141] : memref<8x2548xf32, #tpu.memory_space<vmem>>[vector<16xi32>, vector<16xi32>], vector<16xf32>,
      %parallel_loop3A_157 = arith.constant 16 : i32
      %parallel_loop3A_158 = arith.muli %parallel_loop3A_137, %parallel_loop3A_157 : i32
      %parallel_loop3A_159 = arith.constant 2 : i32
      %parallel_loop3A_160 = arith.index_cast %parallel_loop3A_159 : i32 to index
      %parallel_loop3A_161 = arith.index_cast %parallel_loop3A_158 : i32 to index
      %parallel_loop3A_162 = tpu.vector_load %arg9[%parallel_loop3A_160, %parallel_loop3A_161] {strides = array<i32>} : memref<8x4096xf32, #tpu.memory_space<vmem>>, vector<16xf32>,
      tpu.vector_store %arg9[%parallel_loop3A_160, %parallel_loop3A_161], %parallel_loop3A_156 {strides = array<i32>} : memref<8x4096xf32, #tpu.memory_space<vmem>>, vector<16xf32>,
      %parallel_loop3A_163 = tpu.vector_load_idx %arg7[%broadcast_in_dim3A_7, %parallel_loop3A_141] : memref<8x2548xf32, #tpu.memory_space<vmem>>[vector<16xi32>, vector<16xi32>], vector<16xf32>,
      %parallel_loop3A_164 = arith.constant 16 : i32
      %parallel_loop3A_165 = arith.muli %parallel_loop3A_137, %parallel_loop3A_164 : i32
      %parallel_loop3A_166 = arith.constant 3 : i32
      %parallel_loop3A_167 = arith.index_cast %parallel_loop3A_166 : i32 to index
      %parallel_loop3A_168 = arith.index_cast %parallel_loop3A_165 : i32 to index
      %parallel_loop3A_169 = tpu.vector_load %arg9[%parallel_loop3A_167, %parallel_loop3A_168] {strides = array<i32>} : memref<8x4096xf32, #tpu.memory_space<vmem>>, vector<16xf32>,
      tpu.vector_store %arg9[%parallel_loop3A_167, %parallel_loop3A_168], %parallel_loop3A_163 {strides = array<i32>} : memref<8x4096xf32, #tpu.memory_space<vmem>>, vector<16xf32>,
      %parallel_loop3A_170 = tpu.vector_load_idx %arg7[%broadcast_in_dim3A_9, %parallel_loop3A_141] : memref<8x2548xf32, #tpu.memory_space<vmem>>[vector<16xi32>, vector<16xi32>], vector<16xf32>,
      %parallel_loop3A_171 = arith.constant 16 : i32
      %parallel_loop3A_172 = arith.muli %parallel_loop3A_137, %parallel_loop3A_171 : i32
      %parallel_loop3A_173 = arith.constant 4 : i32
      %parallel_loop3A_174 = arith.index_cast %parallel_loop3A_173 : i32 to index
      %parallel_loop3A_175 = arith.index_cast %parallel_loop3A_172 : i32 to index
      %parallel_loop3A_176 = tpu.vector_load %arg9[%parallel_loop3A_174, %parallel_loop3A_175] {strides = array<i32>} : memref<8x4096xf32, #tpu.memory_space<vmem>>, vector<16xf32>,
      tpu.vector_store %arg9[%parallel_loop3A_174, %parallel_loop3A_175], %parallel_loop3A_170 {strides = array<i32>} : memref<8x4096xf32, #tpu.memory_space<vmem>>, vector<16xf32>,
      %parallel_loop3A_177 = tpu.vector_load_idx %arg7[%broadcast_in_dim3A_11, %parallel_loop3A_141] : memref<8x2548xf32, #tpu.memory_space<vmem>>[vector<16xi32>, vector<16xi32>], vector<16xf32>,
      %parallel_loop3A_178 = arith.constant 16 : i32
      %parallel_loop3A_179 = arith.muli %parallel_loop3A_137, %parallel_loop3A_178 : i32
      %parallel_loop3A_180 = arith.constant 5 : i32
      %parallel_loop3A_181 = arith.index_cast %parallel_loop3A_180 : i32 to index
      %parallel_loop3A_182 = arith.index_cast %parallel_loop3A_179 : i32 to index
      %parallel_loop3A_183 = tpu.vector_load %arg9[%parallel_loop3A_181, %parallel_loop3A_182] {strides = array<i32>} : memref<8x4096xf32, #tpu.memory_space<vmem>>, vector<16xf32>,
      tpu.vector_store %arg9[%parallel_loop3A_181, %parallel_loop3A_182], %parallel_loop3A_177 {strides = array<i32>} : memref<8x4096xf32, #tpu.memory_space<vmem>>, vector<16xf32>,
      %parallel_loop3A_184 = tpu.vector_load_idx %arg7[%broadcast_in_dim3A_13, %parallel_loop3A_141] : memref<8x2548xf32, #tpu.memory_space<vmem>>[vector<16xi32>, vector<16xi32>], vector<16xf32>,
      %parallel_loop3A_185 = arith.constant 16 : i32
      %parallel_loop3A_186 = arith.muli %parallel_loop3A_137, %parallel_loop3A_185 : i32
      %parallel_loop3A_187 = arith.constant 6 : i32
      %parallel_loop3A_188 = arith.index_cast %parallel_loop3A_187 : i32 to index
      %parallel_loop3A_189 = arith.index_cast %parallel_loop3A_186 : i32 to index
      %parallel_loop3A_190 = tpu.vector_load %arg9[%parallel_loop3A_188, %parallel_loop3A_189] {strides = array<i32>} : memref<8x4096xf32, #tpu.memory_space<vmem>>, vector<16xf32>,
      tpu.vector_store %arg9[%parallel_loop3A_188, %parallel_loop3A_189], %parallel_loop3A_184 {strides = array<i32>} : memref<8x4096xf32, #tpu.memory_space<vmem>>, vector<16xf32>,
      %parallel_loop3A_191 = tpu.vector_load_idx %arg7[%broadcast_in_dim3A_15, %parallel_loop3A_141] : memref<8x2548xf32, #tpu.memory_space<vmem>>[vector<16xi32>, vector<16xi32>], vector<16xf32>,
      %parallel_loop3A_192 = arith.constant 16 : i32
      %parallel_loop3A_193 = arith.muli %parallel_loop3A_137, %parallel_loop3A_192 : i32
      %parallel_loop3A_194 = arith.constant 7 : i32
      %parallel_loop3A_195 = arith.index_cast %parallel_loop3A_194 : i32 to index
      %parallel_loop3A_196 = arith.index_cast %parallel_loop3A_193 : i32 to index
      %parallel_loop3A_197 = tpu.vector_load %arg9[%parallel_loop3A_195, %parallel_loop3A_196] {strides = array<i32>} : memref<8x4096xf32, #tpu.memory_space<vmem>>, vector<16xf32>,
      tpu.vector_store %arg9[%parallel_loop3A_195, %parallel_loop3A_196], %parallel_loop3A_191 {strides = array<i32>} : memref<8x4096xf32, #tpu.memory_space<vmem>>, vector<16xf32>,
    } {sc.loop_unroll_factor = 4 : i64, sc.parallel_access}
    %add3A_67 = arith.constant 32 : i32
    %add3A_68 = arith.addi %add3A, %add3A_67 : i32
    %mul3A_69 = arith.constant 8 : i32
    %mul3A_70 = arith.muli %add3A_68, %mul3A_69 : i32
    %dma_start3A_71 = arith.constant 0 : i32
    %dma_start3A_72 = tpu.memref_slice %arg4[%mul3A_70, %dma_start3A_71] : memref<1000x4096xf32, #tpu.memory_space<hbm>> -> memref<8x4096xf32, #tpu.memory_space<hbm>>
    %dma_start3A_73 = arith.constant 0 : i32
    %dma_start3A_74 = tpu.memref_slice %arg4[%mul3A_70, %dma_start3A_73] : memref<1000x4096xf32, #tpu.memory_space<hbm>> -> memref<8x4096xf32, #tpu.memory_space<hbm>>
    tpu.enqueue_dma source(%arg9 : memref<8x4096xf32, #tpu.memory_space<vmem>>) target(%dma_start3A_74 : memref<8x4096xf32, #tpu.memory_space<hbm>>) target_semaphore(%arg14 : memref<!tpu.dma_semaphore, #tpu.memory_space<semaphore_mem>>)
    %add3A_75 = arith.constant 96 : i32
    %add3A_76 = arith.addi %add3A, %add3A_75 : i32
    %lt3A = arith.constant 125 : i32
    %lt3A_77 = arith.cmpi slt, %add3A_76, %lt3A : i32
    %convert_element_type3A = arith.extui %lt3A_77 : i1 to i32
    %cond3A = arith.constant 0 : i32
    %cond3A_78 = arith.cmpi ne, %convert_element_type3A, %cond3A : i32
    scf.if %cond3A_78 {
      %add3A_137 = arith.constant 96 : i32
      %add3A_138 = arith.addi %add3A, %add3A_137 : i32
      %mul3A_139 = arith.constant 8 : i32
      %mul3A_140 = arith.muli %add3A_138, %mul3A_139 : i32
      %dma_start3A_141 = arith.constant 0 : i32
      %dma_start3A_142 = tpu.memref_slice %arg3[%mul3A_140, %dma_start3A_141] : memref<1000x2548xf32, #tpu.memory_space<hbm>> -> memref<8x2548xf32, #tpu.memory_space<hbm>>
      %dma_start3A_143 = arith.constant 0 : i32
      %dma_start3A_144 = tpu.memref_slice %arg3[%mul3A_140, %dma_start3A_143] : memref<1000x2548xf32, #tpu.memory_space<hbm>> -> memref<8x2548xf32, #tpu.memory_space<hbm>>
      tpu.enqueue_dma source(%dma_start3A_144 : memref<8x2548xf32, #tpu.memory_space<hbm>>) target(%arg7 : memref<8x2548xf32, #tpu.memory_space<vmem>>) target_semaphore(%arg12 : memref<!tpu.dma_semaphore, #tpu.memory_space<semaphore_mem>>)
    } else {
    }
    %add3A_79 = arith.constant 64 : i32
    %add3A_80 = arith.addi %add3A, %add3A_79 : i32
    %mul3A_81 = arith.constant 8 : i32
    %mul3A_82 = arith.muli %add3A_80, %mul3A_81 : i32
    %dma_wait3A_83 = arith.constant 0 : i32
    %dma_wait3A_84 = tpu.memref_slice %arg3[%mul3A_82, %dma_wait3A_83] : memref<1000x2548xf32, #tpu.memory_space<hbm>> -> memref<8x2548xf32, #tpu.memory_space<hbm>>
    %dma_wait3A_85 = arith.constant 0 : i32
    %dma_wait3A_86 = tpu.memref_slice %arg3[%mul3A_82, %dma_wait3A_85] : memref<1000x2548xf32, #tpu.memory_space<hbm>> -> memref<8x2548xf32, #tpu.memory_space<hbm>>
    tpu.wait_dma2 semaphore(%arg11 : memref<!tpu.dma_semaphore, #tpu.memory_space<semaphore_mem>>) src(%dma_wait3A_86 : memref<8x2548xf32, #tpu.memory_space<hbm>>) dst(%arg6 : memref<8x2548xf32, #tpu.memory_space<vmem>>)
    %add3A_87 = arith.constant 0 : i32
    %add3A_88 = arith.addi %add3A, %add3A_87 : i32
    %mul3A_89 = arith.constant 8 : i32
    %mul3A_90 = arith.muli %add3A_88, %mul3A_89 : i32
    %dma_wait3A_91 = arith.constant 0 : i32
    %dma_wait3A_92 = tpu.memref_slice %arg4[%mul3A_90, %dma_wait3A_91] : memref<1000x4096xf32, #tpu.memory_space<hbm>> -> memref<8x4096xf32, #tpu.memory_space<hbm>>
    %dma_wait3A_93 = arith.constant 0 : i32
    %dma_wait3A_94 = tpu.memref_slice %arg4[%mul3A_90, %dma_wait3A_93] : memref<1000x4096xf32, #tpu.memory_space<hbm>> -> memref<8x4096xf32, #tpu.memory_space<hbm>>
    tpu.wait_dma2 semaphore(%arg13 : memref<!tpu.dma_semaphore, #tpu.memory_space<semaphore_mem>>) src(%arg8 : memref<8x4096xf32, #tpu.memory_space<vmem>>) dst(%dma_wait3A_94 : memref<8x4096xf32, #tpu.memory_space<hbm>>)
    %parallel_loop3A_95 = arith.constant 0 : i32
    %parallel_loop3A_96 = arith.constant 256 : i32
    %parallel_loop3A_97 = arith.constant 1 : i32
    scf.for %parallel_loop3A_137 = %parallel_loop3A_95 to %parallel_loop3A_96 step %parallel_loop3A_97  : i32 {
      %parallel_loop3A_138 = arith.constant 16 : i32
      %parallel_loop3A_139 = arith.muli %parallel_loop3A_137, %parallel_loop3A_138 : i32
      %parallel_loop3A_140 = arith.index_cast %parallel_loop3A_139 : i32 to index
      %parallel_loop3A_141 = tpu.vector_load %arg5[%parallel_loop3A_140] {strides = array<i32>} : memref<4096xi32, #tpu.memory_space<vmem>>, vector<16xi32>,
      %parallel_loop3A_142 = tpu.vector_load_idx %arg6[%broadcast_in_dim3A_1, %parallel_loop3A_141] : memref<8x2548xf32, #tpu.memory_space<vmem>>[vector<16xi32>, vector<16xi32>], vector<16xf32>,
      %parallel_loop3A_143 = arith.constant 16 : i32
      %parallel_loop3A_144 = arith.muli %parallel_loop3A_137, %parallel_loop3A_143 : i32
      %parallel_loop3A_145 = arith.constant 0 : i32
      %parallel_loop3A_146 = arith.index_cast %parallel_loop3A_145 : i32 to index
      %parallel_loop3A_147 = arith.index_cast %parallel_loop3A_144 : i32 to index
      %parallel_loop3A_148 = tpu.vector_load %arg8[%parallel_loop3A_146, %parallel_loop3A_147] {strides = array<i32>} : memref<8x4096xf32, #tpu.memory_space<vmem>>, vector<16xf32>,
      tpu.vector_store %arg8[%parallel_loop3A_146, %parallel_loop3A_147], %parallel_loop3A_142 {strides = array<i32>} : memref<8x4096xf32, #tpu.memory_space<vmem>>, vector<16xf32>,
      %parallel_loop3A_149 = tpu.vector_load_idx %arg6[%broadcast_in_dim3A_3, %parallel_loop3A_141] : memref<8x2548xf32, #tpu.memory_space<vmem>>[vector<16xi32>, vector<16xi32>], vector<16xf32>,
      %parallel_loop3A_150 = arith.constant 16 : i32
      %parallel_loop3A_151 = arith.muli %parallel_loop3A_137, %parallel_loop3A_150 : i32
      %parallel_loop3A_152 = arith.constant 1 : i32
      %parallel_loop3A_153 = arith.index_cast %parallel_loop3A_152 : i32 to index
      %parallel_loop3A_154 = arith.index_cast %parallel_loop3A_151 : i32 to index
      %parallel_loop3A_155 = tpu.vector_load %arg8[%parallel_loop3A_153, %parallel_loop3A_154] {strides = array<i32>} : memref<8x4096xf32, #tpu.memory_space<vmem>>, vector<16xf32>,
      tpu.vector_store %arg8[%parallel_loop3A_153, %parallel_loop3A_154], %parallel_loop3A_149 {strides = array<i32>} : memref<8x4096xf32, #tpu.memory_space<vmem>>, vector<16xf32>,
      %parallel_loop3A_156 = tpu.vector_load_idx %arg6[%broadcast_in_dim3A_5, %parallel_loop3A_141] : memref<8x2548xf32, #tpu.memory_space<vmem>>[vector<16xi32>, vector<16xi32>], vector<16xf32>,
      %parallel_loop3A_157 = arith.constant 16 : i32
      %parallel_loop3A_158 = arith.muli %parallel_loop3A_137, %parallel_loop3A_157 : i32
      %parallel_loop3A_159 = arith.constant 2 : i32
      %parallel_loop3A_160 = arith.index_cast %parallel_loop3A_159 : i32 to index
      %parallel_loop3A_161 = arith.index_cast %parallel_loop3A_158 : i32 to index
      %parallel_loop3A_162 = tpu.vector_load %arg8[%parallel_loop3A_160, %parallel_loop3A_161] {strides = array<i32>} : memref<8x4096xf32, #tpu.memory_space<vmem>>, vector<16xf32>,
      tpu.vector_store %arg8[%parallel_loop3A_160, %parallel_loop3A_161], %parallel_loop3A_156 {strides = array<i32>} : memref<8x4096xf32, #tpu.memory_space<vmem>>, vector<16xf32>,
      %parallel_loop3A_163 = tpu.vector_load_idx %arg6[%broadcast_in_dim3A_7, %parallel_loop3A_141] : memref<8x2548xf32, #tpu.memory_space<vmem>>[vector<16xi32>, vector<16xi32>], vector<16xf32>,
      %parallel_loop3A_164 = arith.constant 16 : i32
      %parallel_loop3A_165 = arith.muli %parallel_loop3A_137, %parallel_loop3A_164 : i32
      %parallel_loop3A_166 = arith.constant 3 : i32
      %parallel_loop3A_167 = arith.index_cast %parallel_loop3A_166 : i32 to index
      %parallel_loop3A_168 = arith.index_cast %parallel_loop3A_165 : i32 to index
      %parallel_loop3A_169 = tpu.vector_load %arg8[%parallel_loop3A_167, %parallel_loop3A_168] {strides = array<i32>} : memref<8x4096xf32, #tpu.memory_space<vmem>>, vector<16xf32>,
      tpu.vector_store %arg8[%parallel_loop3A_167, %parallel_loop3A_168], %parallel_loop3A_163 {strides = array<i32>} : memref<8x4096xf32, #tpu.memory_space<vmem>>, vector<16xf32>,
      %parallel_loop3A_170 = tpu.vector_load_idx %arg6[%broadcast_in_dim3A_9, %parallel_loop3A_141] : memref<8x2548xf32, #tpu.memory_space<vmem>>[vector<16xi32>, vector<16xi32>], vector<16xf32>,
      %parallel_loop3A_171 = arith.constant 16 : i32
      %parallel_loop3A_172 = arith.muli %parallel_loop3A_137, %parallel_loop3A_171 : i32
      %parallel_loop3A_173 = arith.constant 4 : i32
      %parallel_loop3A_174 = arith.index_cast %parallel_loop3A_173 : i32 to index
      %parallel_loop3A_175 = arith.index_cast %parallel_loop3A_172 : i32 to index
      %parallel_loop3A_176 = tpu.vector_load %arg8[%parallel_loop3A_174, %parallel_loop3A_175] {strides = array<i32>} : memref<8x4096xf32, #tpu.memory_space<vmem>>, vector<16xf32>,
      tpu.vector_store %arg8[%parallel_loop3A_174, %parallel_loop3A_175], %parallel_loop3A_170 {strides = array<i32>} : memref<8x4096xf32, #tpu.memory_space<vmem>>, vector<16xf32>,
      %parallel_loop3A_177 = tpu.vector_load_idx %arg6[%broadcast_in_dim3A_11, %parallel_loop3A_141] : memref<8x2548xf32, #tpu.memory_space<vmem>>[vector<16xi32>, vector<16xi32>], vector<16xf32>,
      %parallel_loop3A_178 = arith.constant 16 : i32
      %parallel_loop3A_179 = arith.muli %parallel_loop3A_137, %parallel_loop3A_178 : i32
      %parallel_loop3A_180 = arith.constant 5 : i32
      %parallel_loop3A_181 = arith.index_cast %parallel_loop3A_180 : i32 to index
      %parallel_loop3A_182 = arith.index_cast %parallel_loop3A_179 : i32 to index
      %parallel_loop3A_183 = tpu.vector_load %arg8[%parallel_loop3A_181, %parallel_loop3A_182] {strides = array<i32>} : memref<8x4096xf32, #tpu.memory_space<vmem>>, vector<16xf32>,
      tpu.vector_store %arg8[%parallel_loop3A_181, %parallel_loop3A_182], %parallel_loop3A_177 {strides = array<i32>} : memref<8x4096xf32, #tpu.memory_space<vmem>>, vector<16xf32>,
      %parallel_loop3A_184 = tpu.vector_load_idx %arg6[%broadcast_in_dim3A_13, %parallel_loop3A_141] : memref<8x2548xf32, #tpu.memory_space<vmem>>[vector<16xi32>, vector<16xi32>], vector<16xf32>,
      %parallel_loop3A_185 = arith.constant 16 : i32
      %parallel_loop3A_186 = arith.muli %parallel_loop3A_137, %parallel_loop3A_185 : i32
      %parallel_loop3A_187 = arith.constant 6 : i32
      %parallel_loop3A_188 = arith.index_cast %parallel_loop3A_187 : i32 to index
      %parallel_loop3A_189 = arith.index_cast %parallel_loop3A_186 : i32 to index
      %parallel_loop3A_190 = tpu.vector_load %arg8[%parallel_loop3A_188, %parallel_loop3A_189] {strides = array<i32>} : memref<8x4096xf32, #tpu.memory_space<vmem>>, vector<16xf32>,
      tpu.vector_store %arg8[%parallel_loop3A_188, %parallel_loop3A_189], %parallel_loop3A_184 {strides = array<i32>} : memref<8x4096xf32, #tpu.memory_space<vmem>>, vector<16xf32>,
      %parallel_loop3A_191 = tpu.vector_load_idx %arg6[%broadcast_in_dim3A_15, %parallel_loop3A_141] : memref<8x2548xf32, #tpu.memory_space<vmem>>[vector<16xi32>, vector<16xi32>], vector<16xf32>,
      %parallel_loop3A_192 = arith.constant 16 : i32
      %parallel_loop3A_193 = arith.muli %parallel_loop3A_137, %parallel_loop3A_192 : i32
      %parallel_loop3A_194 = arith.constant 7 : i32
      %parallel_loop3A_195 = arith.index_cast %parallel_loop3A_194 : i32 to index
      %parallel_loop3A_196 = arith.index_cast %parallel_loop3A_193 : i32 to index
      %parallel_loop3A_197 = tpu.vector_load %arg8[%parallel_loop3A_195, %parallel_loop3A_196] {strides = array<i32>} : memref<8x4096xf32, #tpu.memory_space<vmem>>, vector<16xf32>,
      tpu.vector_store %arg8[%parallel_loop3A_195, %parallel_loop3A_196], %parallel_loop3A_191 {strides = array<i32>} : memref<8x4096xf32, #tpu.memory_space<vmem>>, vector<16xf32>,
    } {sc.loop_unroll_factor = 4 : i64, sc.parallel_access}
    %add3A_98 = arith.constant 64 : i32
    %add3A_99 = arith.addi %add3A, %add3A_98 : i32
    %mul3A_100 = arith.constant 8 : i32
    %mul3A_101 = arith.muli %add3A_99, %mul3A_100 : i32
    %dma_start3A_102 = arith.constant 0 : i32
    %dma_start3A_103 = tpu.memref_slice %arg4[%mul3A_101, %dma_start3A_102] : memref<1000x4096xf32, #tpu.memory_space<hbm>> -> memref<8x4096xf32, #tpu.memory_space<hbm>>
    %dma_start3A_104 = arith.constant 0 : i32
    %dma_start3A_105 = tpu.memref_slice %arg4[%mul3A_101, %dma_start3A_104] : memref<1000x4096xf32, #tpu.memory_space<hbm>> -> memref<8x4096xf32, #tpu.memory_space<hbm>>
    tpu.enqueue_dma source(%arg8 : memref<8x4096xf32, #tpu.memory_space<vmem>>) target(%dma_start3A_105 : memref<8x4096xf32, #tpu.memory_space<hbm>>) target_semaphore(%arg13 : memref<!tpu.dma_semaphore, #tpu.memory_space<semaphore_mem>>)
    %add3A_106 = arith.constant 96 : i32
    %add3A_107 = arith.addi %add3A, %add3A_106 : i32
    %lt3A_108 = arith.constant 125 : i32
    %lt3A_109 = arith.cmpi slt, %add3A_107, %lt3A_108 : i32
    %convert_element_type3A_110 = arith.extui %lt3A_109 : i1 to i32
    %cond3A_111 = arith.constant 0 : i32
    %cond3A_112 = arith.cmpi ne, %convert_element_type3A_110, %cond3A_111 : i32
    scf.if %cond3A_112 {
      %add3A_137 = arith.constant 96 : i32
      %add3A_138 = arith.addi %add3A, %add3A_137 : i32
      %mul3A_139 = arith.constant 8 : i32
      %mul3A_140 = arith.muli %add3A_138, %mul3A_139 : i32
      %dma_wait3A_141 = arith.constant 0 : i32
      %dma_wait3A_142 = tpu.memref_slice %arg3[%mul3A_140, %dma_wait3A_141] : memref<1000x2548xf32, #tpu.memory_space<hbm>> -> memref<8x2548xf32, #tpu.memory_space<hbm>>
      %dma_wait3A_143 = arith.constant 0 : i32
      %dma_wait3A_144 = tpu.memref_slice %arg3[%mul3A_140, %dma_wait3A_143] : memref<1000x2548xf32, #tpu.memory_space<hbm>> -> memref<8x2548xf32, #tpu.memory_space<hbm>>
      tpu.wait_dma2 semaphore(%arg12 : memref<!tpu.dma_semaphore, #tpu.memory_space<semaphore_mem>>) src(%dma_wait3A_144 : memref<8x2548xf32, #tpu.memory_space<hbm>>) dst(%arg7 : memref<8x2548xf32, #tpu.memory_space<vmem>>)
      %add3A_145 = arith.constant 32 : i32
      %add3A_146 = arith.addi %add3A, %add3A_145 : i32
      %mul3A_147 = arith.constant 8 : i32
      %mul3A_148 = arith.muli %add3A_146, %mul3A_147 : i32
      %dma_wait3A_149 = arith.constant 0 : i32
      %dma_wait3A_150 = tpu.memref_slice %arg4[%mul3A_148, %dma_wait3A_149] : memref<1000x4096xf32, #tpu.memory_space<hbm>> -> memref<8x4096xf32, #tpu.memory_space<hbm>>
      %dma_wait3A_151 = arith.constant 0 : i32
      %dma_wait3A_152 = tpu.memref_slice %arg4[%mul3A_148, %dma_wait3A_151] : memref<1000x4096xf32, #tpu.memory_space<hbm>> -> memref<8x4096xf32, #tpu.memory_space<hbm>>
      tpu.wait_dma2 semaphore(%arg14 : memref<!tpu.dma_semaphore, #tpu.memory_space<semaphore_mem>>) src(%arg9 : memref<8x4096xf32, #tpu.memory_space<vmem>>) dst(%dma_wait3A_152 : memref<8x4096xf32, #tpu.memory_space<hbm>>)
      %parallel_loop3A_153 = arith.constant 0 : i32
      %parallel_loop3A_154 = arith.constant 256 : i32
      %parallel_loop3A_155 = arith.constant 1 : i32
      scf.for %parallel_loop3A_164 = %parallel_loop3A_153 to %parallel_loop3A_154 step %parallel_loop3A_155  : i32 {
        %parallel_loop3A_165 = arith.constant 16 : i32
        %parallel_loop3A_166 = arith.muli %parallel_loop3A_164, %parallel_loop3A_165 : i32
        %parallel_loop3A_167 = arith.index_cast %parallel_loop3A_166 : i32 to index
        %parallel_loop3A_168 = tpu.vector_load %arg5[%parallel_loop3A_167] {strides = array<i32>} : memref<4096xi32, #tpu.memory_space<vmem>>, vector<16xi32>,
        %parallel_loop3A_169 = tpu.vector_load_idx %arg7[%broadcast_in_dim3A_1, %parallel_loop3A_168] : memref<8x2548xf32, #tpu.memory_space<vmem>>[vector<16xi32>, vector<16xi32>], vector<16xf32>,
        %parallel_loop3A_170 = arith.constant 16 : i32
        %parallel_loop3A_171 = arith.muli %parallel_loop3A_164, %parallel_loop3A_170 : i32
        %parallel_loop3A_172 = arith.constant 0 : i32
        %parallel_loop3A_173 = arith.index_cast %parallel_loop3A_172 : i32 to index
        %parallel_loop3A_174 = arith.index_cast %parallel_loop3A_171 : i32 to index
        %parallel_loop3A_175 = tpu.vector_load %arg9[%parallel_loop3A_173, %parallel_loop3A_174] {strides = array<i32>} : memref<8x4096xf32, #tpu.memory_space<vmem>>, vector<16xf32>,
        tpu.vector_store %arg9[%parallel_loop3A_173, %parallel_loop3A_174], %parallel_loop3A_169 {strides = array<i32>} : memref<8x4096xf32, #tpu.memory_space<vmem>>, vector<16xf32>,
        %parallel_loop3A_176 = tpu.vector_load_idx %arg7[%broadcast_in_dim3A_3, %parallel_loop3A_168] : memref<8x2548xf32, #tpu.memory_space<vmem>>[vector<16xi32>, vector<16xi32>], vector<16xf32>,
        %parallel_loop3A_177 = arith.constant 16 : i32
        %parallel_loop3A_178 = arith.muli %parallel_loop3A_164, %parallel_loop3A_177 : i32
        %parallel_loop3A_179 = arith.constant 1 : i32
        %parallel_loop3A_180 = arith.index_cast %parallel_loop3A_179 : i32 to index
        %parallel_loop3A_181 = arith.index_cast %parallel_loop3A_178 : i32 to index
        %parallel_loop3A_182 = tpu.vector_load %arg9[%parallel_loop3A_180, %parallel_loop3A_181] {strides = array<i32>} : memref<8x4096xf32, #tpu.memory_space<vmem>>, vector<16xf32>,
        tpu.vector_store %arg9[%parallel_loop3A_180, %parallel_loop3A_181], %parallel_loop3A_176 {strides = array<i32>} : memref<8x4096xf32, #tpu.memory_space<vmem>>, vector<16xf32>,
        %parallel_loop3A_183 = tpu.vector_load_idx %arg7[%broadcast_in_dim3A_5, %parallel_loop3A_168] : memref<8x2548xf32, #tpu.memory_space<vmem>>[vector<16xi32>, vector<16xi32>], vector<16xf32>,
        %parallel_loop3A_184 = arith.constant 16 : i32
        %parallel_loop3A_185 = arith.muli %parallel_loop3A_164, %parallel_loop3A_184 : i32
        %parallel_loop3A_186 = arith.constant 2 : i32
        %parallel_loop3A_187 = arith.index_cast %parallel_loop3A_186 : i32 to index
        %parallel_loop3A_188 = arith.index_cast %parallel_loop3A_185 : i32 to index
        %parallel_loop3A_189 = tpu.vector_load %arg9[%parallel_loop3A_187, %parallel_loop3A_188] {strides = array<i32>} : memref<8x4096xf32, #tpu.memory_space<vmem>>, vector<16xf32>,
        tpu.vector_store %arg9[%parallel_loop3A_187, %parallel_loop3A_188], %parallel_loop3A_183 {strides = array<i32>} : memref<8x4096xf32, #tpu.memory_space<vmem>>, vector<16xf32>,
        %parallel_loop3A_190 = tpu.vector_load_idx %arg7[%broadcast_in_dim3A_7, %parallel_loop3A_168] : memref<8x2548xf32, #tpu.memory_space<vmem>>[vector<16xi32>, vector<16xi32>], vector<16xf32>,
        %parallel_loop3A_191 = arith.constant 16 : i32
        %parallel_loop3A_192 = arith.muli %parallel_loop3A_164, %parallel_loop3A_191 : i32
        %parallel_loop3A_193 = arith.constant 3 : i32
        %parallel_loop3A_194 = arith.index_cast %parallel_loop3A_193 : i32 to index
        %parallel_loop3A_195 = arith.index_cast %parallel_loop3A_192 : i32 to index
        %parallel_loop3A_196 = tpu.vector_load %arg9[%parallel_loop3A_194, %parallel_loop3A_195] {strides = array<i32>} : memref<8x4096xf32, #tpu.memory_space<vmem>>, vector<16xf32>,
        tpu.vector_store %arg9[%parallel_loop3A_194, %parallel_loop3A_195], %parallel_loop3A_190 {strides = array<i32>} : memref<8x4096xf32, #tpu.memory_space<vmem>>, vector<16xf32>,
        %parallel_loop3A_197 = tpu.vector_load_idx %arg7[%broadcast_in_dim3A_9, %parallel_loop3A_168] : memref<8x2548xf32, #tpu.memory_space<vmem>>[vector<16xi32>, vector<16xi32>], vector<16xf32>,
        %parallel_loop3A_198 = arith.constant 16 : i32
        %parallel_loop3A_199 = arith.muli %parallel_loop3A_164, %parallel_loop3A_198 : i32
        %parallel_loop3A_200 = arith.constant 4 : i32
        %parallel_loop3A_201 = arith.index_cast %parallel_loop3A_200 : i32 to index
        %parallel_loop3A_202 = arith.index_cast %parallel_loop3A_199 : i32 to index
        %parallel_loop3A_203 = tpu.vector_load %arg9[%parallel_loop3A_201, %parallel_loop3A_202] {strides = array<i32>} : memref<8x4096xf32, #tpu.memory_space<vmem>>, vector<16xf32>,
        tpu.vector_store %arg9[%parallel_loop3A_201, %parallel_loop3A_202], %parallel_loop3A_197 {strides = array<i32>} : memref<8x4096xf32, #tpu.memory_space<vmem>>, vector<16xf32>,
        %parallel_loop3A_204 = tpu.vector_load_idx %arg7[%broadcast_in_dim3A_11, %parallel_loop3A_168] : memref<8x2548xf32, #tpu.memory_space<vmem>>[vector<16xi32>, vector<16xi32>], vector<16xf32>,
        %parallel_loop3A_205 = arith.constant 16 : i32
        %parallel_loop3A_206 = arith.muli %parallel_loop3A_164, %parallel_loop3A_205 : i32
        %parallel_loop3A_207 = arith.constant 5 : i32
        %parallel_loop3A_208 = arith.index_cast %parallel_loop3A_207 : i32 to index
        %parallel_loop3A_209 = arith.index_cast %parallel_loop3A_206 : i32 to index
        %parallel_loop3A_210 = tpu.vector_load %arg9[%parallel_loop3A_208, %parallel_loop3A_209] {strides = array<i32>} : memref<8x4096xf32, #tpu.memory_space<vmem>>, vector<16xf32>,
        tpu.vector_store %arg9[%parallel_loop3A_208, %parallel_loop3A_209], %parallel_loop3A_204 {strides = array<i32>} : memref<8x4096xf32, #tpu.memory_space<vmem>>, vector<16xf32>,
        %parallel_loop3A_211 = tpu.vector_load_idx %arg7[%broadcast_in_dim3A_13, %parallel_loop3A_168] : memref<8x2548xf32, #tpu.memory_space<vmem>>[vector<16xi32>, vector<16xi32>], vector<16xf32>,
        %parallel_loop3A_212 = arith.constant 16 : i32
        %parallel_loop3A_213 = arith.muli %parallel_loop3A_164, %parallel_loop3A_212 : i32
        %parallel_loop3A_214 = arith.constant 6 : i32
        %parallel_loop3A_215 = arith.index_cast %parallel_loop3A_214 : i32 to index
        %parallel_loop3A_216 = arith.index_cast %parallel_loop3A_213 : i32 to index
        %parallel_loop3A_217 = tpu.vector_load %arg9[%parallel_loop3A_215, %parallel_loop3A_216] {strides = array<i32>} : memref<8x4096xf32, #tpu.memory_space<vmem>>, vector<16xf32>,
        tpu.vector_store %arg9[%parallel_loop3A_215, %parallel_loop3A_216], %parallel_loop3A_211 {strides = array<i32>} : memref<8x4096xf32, #tpu.memory_space<vmem>>, vector<16xf32>,
        %parallel_loop3A_218 = tpu.vector_load_idx %arg7[%broadcast_in_dim3A_15, %parallel_loop3A_168] : memref<8x2548xf32, #tpu.memory_space<vmem>>[vector<16xi32>, vector<16xi32>], vector<16xf32>,
        %parallel_loop3A_219 = arith.constant 16 : i32
        %parallel_loop3A_220 = arith.muli %parallel_loop3A_164, %parallel_loop3A_219 : i32
        %parallel_loop3A_221 = arith.constant 7 : i32
        %parallel_loop3A_222 = arith.index_cast %parallel_loop3A_221 : i32 to index
        %parallel_loop3A_223 = arith.index_cast %parallel_loop3A_220 : i32 to index
        %parallel_loop3A_224 = tpu.vector_load %arg9[%parallel_loop3A_222, %parallel_loop3A_223] {strides = array<i32>} : memref<8x4096xf32, #tpu.memory_space<vmem>>, vector<16xf32>,
        tpu.vector_store %arg9[%parallel_loop3A_222, %parallel_loop3A_223], %parallel_loop3A_218 {strides = array<i32>} : memref<8x4096xf32, #tpu.memory_space<vmem>>, vector<16xf32>,
      } {sc.loop_unroll_factor = 4 : i64, sc.parallel_access}
      %add3A_156 = arith.constant 96 : i32
      %add3A_157 = arith.addi %add3A, %add3A_156 : i32
      %mul3A_158 = arith.constant 8 : i32
      %mul3A_159 = arith.muli %add3A_157, %mul3A_158 : i32
      %dma_start3A_160 = arith.constant 0 : i32
      %dma_start3A_161 = tpu.memref_slice %arg4[%mul3A_159, %dma_start3A_160] : memref<1000x4096xf32, #tpu.memory_space<hbm>> -> memref<8x4096xf32, #tpu.memory_space<hbm>>
      %dma_start3A_162 = arith.constant 0 : i32
      %dma_start3A_163 = tpu.memref_slice %arg4[%mul3A_159, %dma_start3A_162] : memref<1000x4096xf32, #tpu.memory_space<hbm>> -> memref<8x4096xf32, #tpu.memory_space<hbm>>
      tpu.enqueue_dma source(%arg9 : memref<8x4096xf32, #tpu.memory_space<vmem>>) target(%dma_start3A_163 : memref<8x4096xf32, #tpu.memory_space<hbm>>) target_semaphore(%arg14 : memref<!tpu.dma_semaphore, #tpu.memory_space<semaphore_mem>>)
    } else {
    }
    %add3A_113 = arith.constant 32 : i32
    %add3A_114 = arith.addi %add3A, %add3A_113 : i32
    %lt3A_115 = arith.constant 125 : i32
    %lt3A_116 = arith.cmpi slt, %add3A_114, %lt3A_115 : i32
    %add3A_117 = arith.constant 96 : i32
    %add3A_118 = arith.addi %add3A, %add3A_117 : i32
    %ge3A = arith.constant 125 : i32
    %ge3A_119 = arith.cmpi sge, %add3A_118, %ge3A : i32
    %and3A = arith.andi %lt3A_116, %ge3A_119 : i1
    %convert_element_type3A_120 = arith.extui %and3A : i1 to i32
    %cond3A_121 = arith.constant 0 : i32
    %cond3A_122 = arith.cmpi ne, %convert_element_type3A_120, %cond3A_121 : i32
    scf.if %cond3A_122 {
      %add3A_137 = arith.constant 32 : i32
      %add3A_138 = arith.addi %add3A, %add3A_137 : i32
      %mul3A_139 = arith.constant 8 : i32
      %mul3A_140 = arith.muli %add3A_138, %mul3A_139 : i32
      %dma_wait3A_141 = arith.constant 0 : i32
      %dma_wait3A_142 = tpu.memref_slice %arg4[%mul3A_140, %dma_wait3A_141] : memref<1000x4096xf32, #tpu.memory_space<hbm>> -> memref<8x4096xf32, #tpu.memory_space<hbm>>
      %dma_wait3A_143 = arith.constant 0 : i32
      %dma_wait3A_144 = tpu.memref_slice %arg4[%mul3A_140, %dma_wait3A_143] : memref<1000x4096xf32, #tpu.memory_space<hbm>> -> memref<8x4096xf32, #tpu.memory_space<hbm>>
      tpu.wait_dma2 semaphore(%arg14 : memref<!tpu.dma_semaphore, #tpu.memory_space<semaphore_mem>>) src(%arg9 : memref<8x4096xf32, #tpu.memory_space<vmem>>) dst(%dma_wait3A_144 : memref<8x4096xf32, #tpu.memory_space<hbm>>)
    } else {
    }
    %add3A_123 = arith.constant 64 : i32
    %add3A_124 = arith.addi %add3A, %add3A_123 : i32
    %lt3A_125 = arith.constant 125 : i32
    %lt3A_126 = arith.cmpi slt, %add3A_124, %lt3A_125 : i32
    %convert_element_type3A_127 = arith.extui %lt3A_126 : i1 to i32
    %cond3A_128 = arith.constant 0 : i32
    %cond3A_129 = arith.cmpi ne, %convert_element_type3A_127, %cond3A_128 : i32
    scf.if %cond3A_129 {
      %add3A_137 = arith.constant 64 : i32
      %add3A_138 = arith.addi %add3A, %add3A_137 : i32
      %mul3A_139 = arith.constant 8 : i32
      %mul3A_140 = arith.muli %add3A_138, %mul3A_139 : i32
      %dma_wait3A_141 = arith.constant 0 : i32
      %dma_wait3A_142 = tpu.memref_slice %arg4[%mul3A_140, %dma_wait3A_141] : memref<1000x4096xf32, #tpu.memory_space<hbm>> -> memref<8x4096xf32, #tpu.memory_space<hbm>>
      %dma_wait3A_143 = arith.constant 0 : i32
      %dma_wait3A_144 = tpu.memref_slice %arg4[%mul3A_140, %dma_wait3A_143] : memref<1000x4096xf32, #tpu.memory_space<hbm>> -> memref<8x4096xf32, #tpu.memory_space<hbm>>
      tpu.wait_dma2 semaphore(%arg13 : memref<!tpu.dma_semaphore, #tpu.memory_space<semaphore_mem>>) src(%arg8 : memref<8x4096xf32, #tpu.memory_space<vmem>>) dst(%dma_wait3A_144 : memref<8x4096xf32, #tpu.memory_space<hbm>>)
    } else {
    }
    %add3A_130 = arith.constant 96 : i32
    %add3A_131 = arith.addi %add3A, %add3A_130 : i32
    %lt3A_132 = arith.constant 125 : i32
    %lt3A_133 = arith.cmpi slt, %add3A_131, %lt3A_132 : i32
    %convert_element_type3A_134 = arith.extui %lt3A_133 : i1 to i32
    %cond3A_135 = arith.constant 0 : i32
    %cond3A_136 = arith.cmpi ne, %convert_element_type3A_134, %cond3A_135 : i32
    scf.if %cond3A_136 {
      %add3A_137 = arith.constant 96 : i32
      %add3A_138 = arith.addi %add3A, %add3A_137 : i32
      %mul3A_139 = arith.constant 8 : i32
      %mul3A_140 = arith.muli %add3A_138, %mul3A_139 : i32
      %dma_wait3A_141 = arith.constant 0 : i32
      %dma_wait3A_142 = tpu.memref_slice %arg4[%mul3A_140, %dma_wait3A_141] : memref<1000x4096xf32, #tpu.memory_space<hbm>> -> memref<8x4096xf32, #tpu.memory_space<hbm>>
      %dma_wait3A_143 = arith.constant 0 : i32
      %dma_wait3A_144 = tpu.memref_slice %arg4[%mul3A_140, %dma_wait3A_143] : memref<1000x4096xf32, #tpu.memory_space<hbm>> -> memref<8x4096xf32, #tpu.memory_space<hbm>>
      tpu.wait_dma2 semaphore(%arg14 : memref<!tpu.dma_semaphore, #tpu.memory_space<semaphore_mem>>) src(%arg9 : memref<8x4096xf32, #tpu.memory_space<vmem>>) dst(%dma_wait3A_144 : memref<8x4096xf32, #tpu.memory_space<hbm>>)
    } else {
    }
    return
  }
}

</mosaic_0001>

<sc_bundles>
// kernel: kernel.3.cloned.1.call-start
scs
__scs_entry_jumppad:
0x0: {  	(pc) =	sbr.rel $0x88, $3  }
0x1: {  	(tag) =	ssettag $0x0;
	lr =	simm.s32 $0x1  }
0x2: {  	[smem:$0x3F9F] =	sst lr;
	_ =	strace $0xD0000000  }
0x3: {  	_ = 	snop  }
0x4: {  	_ = 	snop  }
0x5: {  	_ = 	snop  }
0x6: {  	_ = 	snop  }
0x7: {  	_ = 	snop  }
__scs_overlays_trampoline_lowered:
0x8: {  	[smem:$0x3FAE] =	sst s0  }
0x9: {  	[smem:$0x3FAF] =	sst s1  }
0xa: {  	[smem:$0x3FB0] =	sst s2  }
0xb: {  	[smem:$0x3FB1] =	sst s3  }
0xc: {  	[smem:$0x3FB2] =	sst s4  }
0xd: {  	[smem:$0x3FB3] =	sst s5  }
0xe: {  	[smem:$0x3FB4] =	sst s6  }
0xf: {  	[smem:$0x3FB5] =	sst s7  }
0x10: {  	[smem:$0x3FB6] =	sst s8  }
0x11: {  	[smem:$0x3FB7] =	sst s9;
	s0 =	simm.s32 @!p0 $0x0  }
0x12: {  	s1 =	sld [smem:$0x3F9D];
	s0 =	simm.s32 @p0 $0x1  }
0x13: {  	[smem:$0x3FB8] =	sst s0;
	s0 =	simm.s32 @!p1 $0x0  }
0x14: {  	s2 =	sld [smem:$0x3F9C];
	s0 =	simm.s32 @p1 $0x1  }
0x15: {  	[smem:$0x3FB9] =	sst s0;
	s0 =	simm.s32 @!p2 $0x0  }
0x16: {  	s3 =	sld [smem:$0x3FDB];
	s0 =	simm.s32 @p2 $0x1  }
0x17: {  	s4 =	simm.s32 $0x1BF5;
	[smem:$0x3FBB] =	sst s0  }
0x18: {  	s0 =	sld [smem:$0x3F9E];
	_ =	swait.ge [sflag:s4], $0x0  }
0x19: {  	s7 =	sld [smem:$0x3F9F]  }
0x1a: {  	s8 =	sadd.s32 $0xFFFFE003, lr  }
0x1b: {  	s9 =	sadd.s32 $0xFFFFFEF7, lr;
	s5 =	simm.s32 $0xFFFFFFFF;
	p2 =	slt.u32 s8, $0xFFFFF086  }
0x1c: {  	p1 =	slt.u32 s9, $0xF7A;
	s5 =	simm.s32 @!p2 $0x0  }
0x1d: {  	s5 =	simm.s32 @p1 $0x1;
	p0 =	seq.s32 s7, s2  }
0x1e: {  	s7 =	smul.u32 @!p0 $0xF7A, s2;
	p2 =	seq.s32 @!p0 s5, $0x0  }
0x1f: {  	s9 =	smul.u32 $0xF7A, s1;
	s8 =	simm.s32 @!p0 $0x1BF5;
	p2 =	por !p2, p0  }
0x20: {  	[sflag:s8] =	ssyncset.s32 @!p0 $0xFFFFF086;
	s6 =	sadd.s32 @!p0 s3, s7;
	s7 =	simm.s32 @!p0 $0x108  }
0x21: {  	s3 =	sadd.s32 s3, s9;
	s6 =	sadd.s32 @!p0 $0x88, s6;
	s7 =	simm.s32 @p2 $0x1082  }
0x22: {  	[simem:s7], [sflag:s8] =	dma.local @!p0 [hbm:s6], $0xF7A  }
0x23: {  	s9 =	sor.u32 $0xD0000000, s2;
	s6 =	simm.s32 $0x108;
	_ =	swait.ge @!p0 [sflag:s8], $0x0  }
0x24: {  	s3 =	sadd.s32 $0x88, s3;
	s6 =	simm.s32 @!p1 $0x1082;
	[sflag:s4] =	ssyncset.s32 $0xFFFFF086  }
0x25: {  	[simem:s6], [sflag:s4] =	dma.local [hbm:s3], $0xF7A  }
0x26: {  	[smem:$0x3F9F] =	sst s1;
	(tag) =	ssettag s2;
	_ =	strace s9  }
0x27: {  	s1 =	sld [smem:$0x3FAF]  }
0x28: {  	s2 =	sld [smem:$0x3FB0]  }
0x29: {  	s4 =	sld [smem:$0x3FB2]  }
0x2a: {  	p0 =	seq.s32 s5, $0x0;
	s5 =	sld [smem:$0x3FB3]  }
0x2b: {  	s6 =	sld [smem:$0x3FB4]  }
0x2c: {  	s7 =	sld [smem:$0x3FB5]  }
0x2d: {  	s3 =	simm.s32 $0x108;
	s8 =	sld [smem:$0x3FB6]  }
0x2e: {  	s3 =	simm.s32 @!p0 $0x1082;
	s9 =	sld [smem:$0x3FB7]  }
0x2f: {  	lr =	sadd.s32 s0, s3;
	s0 =	sld [smem:$0x3FAE]  }
0x30: {  	s3 =	sld [smem:$0x3FB1]  }
0x31: {  	[smem:$0x3FBA] =	sst s10  }
0x32: {  	s10 =	sld [smem:$0x3FB8];
	_ =	sdelay $0x3  }
0x33: {  	p0 =	seq.s32 s10, $0x1;
	s10 =	sld [smem:$0x3FBA];
	_ =	sdelay $0x3  }
0x34: {  	[smem:$0x3FBA] =	sst s10  }
0x35: {  	s10 =	sld [smem:$0x3FB9];
	_ =	sdelay $0x3  }
0x36: {  	p1 =	seq.s32 s10, $0x1;
	s10 =	sld [smem:$0x3FBA];
	_ =	sdelay $0x3  }
0x37: {  	[smem:$0x3FBA] =	sst s10  }
0x38: {  	s10 =	sld [smem:$0x3FBB]  }
0x39: {  	_ = 	snop;
	(pc) =	sbr.ind lr, $3  }
0x3a: {  	_ = 	snop  }
0x3b: {  	_ = 	snop  }
0x3c: {  	p2 =	seq.s32 s10, $0x1;
	s10 =	sld [smem:$0x3FBA]  }
0x3d: {  	_ =	shalt  }
0x3e: {  	_ =	shalt  }
0x3f: {  	_ =	shalt  }
0x40: {  	_ =	shalt  }
0x41: {  	_ =	shalt  }
0x42: {  	_ =	shalt  }
0x43: {  	_ =	shalt  }
0x44: {  	_ =	shalt  }
0x45: {  	_ =	shalt  }
0x46: {  	_ =	shalt  }
0x47: {  	_ =	shalt  }
0x48: {  	_ =	shalt  }
0x49: {  	_ =	shalt  }
0x4a: {  	_ =	shalt  }
0x4b: {  	_ =	shalt  }
0x4c: {  	_ =	shalt  }
0x4d: {  	_ =	shalt  }
0x4e: {  	_ =	shalt  }
0x4f: {  	_ =	shalt  }
0x50: {  	_ =	shalt  }
0x51: {  	_ =	shalt  }
0x52: {  	_ =	shalt  }
0x53: {  	_ =	shalt  }
0x54: {  	_ =	shalt  }
0x55: {  	_ =	shalt  }
0x56: {  	_ =	shalt  }
0x57: {  	_ =	shalt  }
0x58: {  	_ =	shalt  }
0x59: {  	_ =	shalt  }
0x5a: {  	_ =	shalt  }
0x5b: {  	_ =	shalt  }
0x5c: {  	_ =	shalt  }
0x5d: {  	_ =	shalt  }
0x5e: {  	_ =	shalt  }
0x5f: {  	_ =	shalt  }
0x60: {  	_ =	shalt  }
0x61: {  	_ =	shalt  }
0x62: {  	_ =	shalt  }
0x63: {  	_ =	shalt  }
0x64: {  	_ =	shalt  }
0x65: {  	_ =	shalt  }
0x66: {  	_ =	shalt  }
0x67: {  	_ =	shalt  }
0x68: {  	_ =	shalt  }
0x69: {  	_ =	shalt  }
0x6a: {  	_ =	shalt  }
0x6b: {  	_ =	shalt  }
0x6c: {  	_ =	shalt  }
0x6d: {  	_ =	shalt  }
0x6e: {  	_ =	shalt  }
0x6f: {  	_ =	shalt  }
0x70: {  	_ =	shalt  }
0x71: {  	_ =	shalt  }
0x72: {  	_ =	shalt  }
0x73: {  	_ =	shalt  }
0x74: {  	_ =	shalt  }
0x75: {  	_ =	shalt  }
0x76: {  	_ =	shalt  }
0x77: {  	_ =	shalt  }
0x78: {  	_ =	shalt  }
0x79: {  	_ =	shalt  }
0x7a: {  	_ =	shalt  }
0x7b: {  	_ =	shalt  }
0x7c: {  	_ =	shalt  }
0x7d: {  	_ =	shalt  }
0x7e: {  	_ =	shalt  }
0x7f: {  	_ =	shalt  }
0x80: {  	_ =	shalt  }
0x81: {  	_ =	shalt  }
0x82: {  	_ =	shalt  }
0x83: {  	_ =	shalt  }
0x84: {  	_ =	shalt  }
0x85: {  	_ =	shalt  }
0x86: {  	_ =	shalt  }
0x87: {  	_ =	shalt  }
.Lfunc_end0:
.L_simem_size_0:
called_computation_lowered:
.L_overlay_start_0:
0x88: {  	s2 =	sld [smem:$0x3FD9]  }
0x89: {  	s3 =	sld [smem:$0x3FFE];
	_ =	sdelay $0x1  }
0x8a: {  	s1 =	srdreg.scid  }
0x8b: {  	s0 =	sand.u32 $0x1, s1  }
0x8c: {  	s18 =	sshll.u32 s0, $0xA;
	s2 =	sadd.s32 s3, s2  }
0x8d: {  	s2 =	sadd.s32 s2, s18  }
0x8e: {  	[smem:$0x3FC6] =	sst s2  }
0x8f: {  	_ = 	snop  }
0x90: {  	s2 =	sld [smem:$0x3FC9]  }
0x91: {  	s19 =	sld [smem:$0x3FC8]  }
0x92: {  	s4 =	sld [smem:$0x3FD0];
	(tm) =	ssettm $0x1  }
0x93: {  	s5 =	sld [smem:$0x3FFB];
	_ =	sdelay $0x3  }
0x94: {  	_ =	strace s5  }
0x95: {  	s5 =	sld [smem:$0x3FFC];
	_ =	sdelay $0x3  }
0x96: {  	_ =	strace s5  }
0x97: {  	s5 =	sld [smem:$0x3FFD];
	_ =	sdelay $0x3  }
0x98: {  	_ =	strace s5  }
0x99: {  	_ =	strace $0x8FFFFFFF  }
0x9a: {  	s20 =	sld [smem:$0x3FDB];
	_ =	sdelay $0x1  }
0x9b: {  	s6 =	simm.s32 $_scs_section_size  }
0x9c: {  	s7 =	simm.s32 $_size__tile_overlayer_lowered;
	s8 =	simm.s32 $_tile_overlayer_lowered  }
0x9d: {  	s23 =	simm.s32 $0x1BFF;
	s22 =	sshll.u32 s8, $0x1;
	s5 =	sadd.s32 s6, s20  }
0x9e: {  	s9 =	simm.s32 $0x0;
	s21 =	sshll.u32 s7, $0x1;
	s7 =	sadd.s32 s22, s5  }
0x9f: {  	[timem:s9], [sflag:s23] =	dma.local [hbm:s7], s21  }
0xa0: {  	_ =	swait.ge [sflag:s23], s21  }
0xa1: {  	s6 =	ssub.s32 $0x0, s21;
	[sflag:s23] =	ssyncset.done $0x0  }
0xa2: {  	[sflag:s23] =	ssyncadd.s32 s6;
	_ =	sdelay $0x1  }
0xa3: {  	s24 =	simm.s32 $0x1B8B  }
0xa4: {  	_ =	swait.ge [sflag:s24], $0x1  }
0xa5: {  	[sflag:s24] =	ssyncset.done $0x0  }
0xa6: {  	s25 =	simm.s32 $0x1B8E;
	[sflag:s24] =	ssyncadd.s32 $0xFFFFFFFF  }
0xa7: {  	s26 =	simm.s32 $execute0_lowered;
	[smem:$0x3FD2] =	sst s25  }
0xa8: {  	s6 =	sshll.u32 s26, $0x1;
	_ =	strace $0x80000046;
	[dreg:$0x1] =	wrdreg $0xFFFFFFFF  }
0xa9: {  	s28 =	simm.s32 $_size_execute0_lowered;
	s5 =	sadd.s32 s5, s6;
	[dreg:$0x0] =	wrdreg $0x0  }
0xaa: {  	s6 =	sshll.u32 s28, $0x1;
	[dreg:$0x2] =	wrdreg s5  }
0xab: {  	[dreg:$0x3] =	wrdreg s6  }
0xac: {  	[dreg:$0x4] =	wrdreg $0xC0  }
0xad: {  	_ =	task [dreg:s9], $0x5FFFF  }
0xae: {  	[dreg:$0x1] =	wrdreg $0xFFFFFFFF  }
0xaf: {  	[dreg:$0x0] =	wrdreg $0x60  }
0xb0: {  	[dreg:$0x2] =	wrdreg s2  }
0xb1: {  	[dreg:$0x3] =	wrdreg s19  }
0xb2: {  	[dreg:$0x4] =	wrdreg s4  }
0xb3: {  	[dreg:$0x5] =	wrdreg $0x9  }
0xb4: {  	_ =	task.clear_ibuf [dreg:s9], $0x6FFFF;
	_ =	strace $0x90000046  }
0xb5: {  	s29 =	simm.s32 $0x9;
	_ =	strace $0x80000048  }
0xb6: {  	_ =	swait.ge [sflag:s29], $0x1  }
0xb7: {  	[sflag:s29] =	ssyncadd.s32 $0xFFFFFFFF  }
0xb8: {  	_ =	strace $0x90000048  }
0xb9: {  	_ =	sfence  }
0xba: {  	s30 =	sld [smem:$0x0];
	_ =	sdelay $0x2  }
0xbb: {  	s31 =	sshll.u32 s1, $0xD;
	s1 =	sshrl.u32 s1, $0x2  }
0xbc: {  	s3 =	sand.u32 $0x4000, s31;
	s1 =	sadd.s32 s1, s30  }
0xbd: {  	s0 =	sor.u32 s3, s0;
	s1 =	sshll.u32 s1, $0x11  }
0xbe: {  	s0 =	sor.u32 s1, s0  }
0xbf: {  	s0 =	sadd.s32 $0x8F2B, s0  }
0xc0: {  	[sflag:s0] =	ssyncadd.remote.s32 $0x1  }
0xc1: {  	_ =	sfence.sel $0xFFFF  }
0xc2: {  	[dreg:$0x0] =	wrdreg $0xFFFFFFFF;
	(pc) =	sbr.abs _section_cstart, $3  }
0xc3: {  	[dreg:$0x1] =	wrdreg $0xFFFFFFFF  }
0xc4: {  	_ =	task.clear_ibuf [dreg:s9], $0x2FFFF;
	_ =	strace $0x9FFFFFFF  }
0xc5: {  	(tm) =	ssettm $0x7FFFFFFF  }
tec
execute0_lowered:
.L_overlay_start_1:
0x0: {  	(tag) =	ssettag $0x1  }
0x1: {  	s0 =	rddreg [dreg:$0x1]  }
0x2: {  	s1 =	rddreg [dreg:$0x2];
	s3 =	simm.s32 $0x0  }
0x3: {  	s2 =	srdreg.scid;
	s4 =	stileid.u32;
	s13 =	simm.s32 $0x1000  }
0x4: {  	s14 =	simm.s32 $0x1;
	s15 =	simm.s32 $0x6000;
	s16 =	simm.s32 $0x2  }
0x5: {  	[smem:$0x7FF] =	sst s3;
	s2 =	sand.u32 $0x1, s2;
	s4 =	sshll.u32 s4, $0x1  }
0x6: {  	_ =	strace $0x80000047;
	s5 =	ssub.s32 $0x2, s2;
	s2 =	sor.u32 s2, s4  }
0x7: {  	s19 =	sshrl.u32 s5, $0x1;
	s6 =	smul.u32 $0xA00, s2;
	s7 =	sor.u32 $0x20, s2  }
0x8: {  	s8 =	sor.u32 $0x40, s2;
	s21 =	sshll.u32 s2, $0xC;
	s23 =	sor.u32 $0x60, s2  }
0x9: {  	s4 =	ssub.s32 s5, s19;
	s20 =	smul.u32 $0xA00, s7;
	s22 =	sadd.s32 s1, s21  }
0xa: {  	s28 =	sshll.u32 s8, $0xC;
	s6 =	sadd.s32 s0, s6;
	[dreg:$0x6] =	wrdreg s22  }
0xb: {  	s9 =	smul.u32 $0xA00, s8;
	s29 =	sadd.s32 s1, s28;
	[dreg:$0x4] =	wrdreg s6  }
0xc: {  	s25 =	sshll.u32 s7, $0xC;
	s31 =	smax.u32 s4, $0x1;
	[dreg:$0xa] =	wrdreg s29  }
0xd: {  	s26 =	smul.u32 $0xA00, s23;
	s5 =	sadd.s32 s0, s20;
	[dreg:$0xc] =	wrdreg s31  }
.Ltmp0:
0xe: {  	s24 =	sadd.s32 s0, s9;
	[dreg:$0x5] =	wrdreg s5;
	(pc) =	sbr.rel .LBB2_1-.Ltmp0, $4  }
0xf: {  	s18 =	simm.s32 $0x3;
	s6 =	sadd.s32 s1, s25;
	[dreg:$0x7] =	wrdreg s24  }
0x10: {  	s0 =	sadd.s32 s0, s26;
	[dreg:$0x8] =	wrdreg s6;
	s5 =	sshll.u32 s23, $0xC  }
0x11: {  	p0 =	sgt.u32 s2, $0x1C;
	[dreg:$0x9] =	wrdreg s0;
	s30 =	sadd.s32 s1, s5  }
0x12: {  	s22 =	simm.s32 $0x0;
	s20 =	simm.s32 $0x4;
	[dreg:$0xb] =	wrdreg s30  }
.LBB2_8:
0x13: {  	s0 =	simm.s32 $0x4;
	s1 =	simm.s32 $0x5  }
.LBB2_12:
0x14: {  	_ =	swait.ge [sflag:s1], $0x8000  }
0x15: {  	[sflag:s1] =	ssyncset.done $0x0  }
0x16: {  	[sflag:s1] =	ssyncadd.s32 $0xFFFF8000  }
0x17: {  	_ =	swait.ge [sflag:s0], $0x8000  }
0x18: {  	s22 =	sadd.s32 $0x1, s22;
	s31 =	rddreg [dreg:$0xc]  }
0x19: {  	p1 =	sne.s32 s22, s31  }
.Ltmp1:
0x1a: {  	_ = 	snop;
	(pc) =	sbr.rel @!p1 .LBB2_13-.Ltmp1, $3  }
0x1b: {  	_ =	sdelay $0x1  }
0x1c: {  	[sflag:s0] =	ssyncset.done $0x0  }
0x1d: {  	[sflag:s0] =	ssyncadd.s32 $0xFFFF8000  }
.LBB2_1:
0x1e: {  	s0 =	rddreg [dreg:$0x0]  }
0x1f: {  	[tilespmem:s3], [sflag:$0x1] =	stream.linear.gather [hbm4b:s0+s3], $0x1000, $0x38;
	[tilespmem:$0x1B000] =	vst v63  }
0x20: {  	s5 =	rddreg [dreg:$0x4]  }
0x21: {  	[tilespmem:s13], [sflag:$0x2] =	stream.linear.gather [hbm4b:s5+s3], $0x5000, $0x38;
	[tilespmem:$0x1B000] =	vst v63  }
0x22: {  	_ =	swait.ge [sflag:s14], $0x1000  }
0x23: {  	[sflag:s14] =	ssyncset.done $0x0  }
0x24: {  	s6 =	rddreg [dreg:$0x5];
	[sflag:s14] =	ssyncadd.s32 $0xFFFFF000  }
0x25: {  	[tilespmem:s15], [sflag:$0x3] =	stream.linear.gather [hbm4b:s6+s3], $0x5000, $0x38;
	[tilespmem:$0x1B000] =	vst v63  }
0x26: {  	s7 =	sand.u32 $0x40, s3;
	_ =	swait.ge [sflag:s16], $0x5000  }
0x27: {  	s1 =	sand.u32 $0xF80, s3;
	s2 =	sor.u32 $0x30, s7;
	[sflag:s16] =	ssyncset.done $0x0  }
0x28: {  	s4 =	sor.u32 s2, s1;
	[sflag:s16] =	ssyncadd.s32 $0xFFFFB000  }
0x29: {  	v0 =	vld [tilespmem:s4+$0x0]  }
0x2a: {  	s5 =	sor.u32 $0x10, s7;
	v1 =	vld [tilespmem:s3+$0x0]  }
0x2b: {  	s9 =	sor.u32 s5, s1;
	s6 =	sor.u32 $0x20, s7  }
0x2c: {  	s1 =	sor.u32 s6, s1;
	v2 =	vld [tilespmem:s9+$0x0]  }
0x2d: {  	v3 =	vld [tilespmem:s1+$0x0]  }
0x2e: {  	v4 =	vshll.u32 v0, $0x3  }
0x2f: {  	v5 =	vshll.u32 v1, $0x3;
	v0 =	vand.u32 $0x7F, v0;
	v4 =	vand.u32 $0xFFFFFC00, v4  }
0x30: {  	v1 =	vand.u32 $0x7F, v1;
	v6 =	vand.u32 $0xFFFFFC00, v5;
	v5 =	vor.u32 v0, v4  }
0x31: {  	v0 =	vor.u32 v1, v6;
	v1 =	vshll.u32 v2, $0x3  }
0x32: {  	v4 =	vshll.u32 v3, $0x3;
	v2 =	vand.u32 $0x7F, v2;
	v1 =	vand.u32 $0xFFFFFC00, v1  }
0x33: {  	v6 =	vand.u32 $0xFFFFFC00, v4;
	v4 =	vor.u32 v2, v1;
	v1 =	vand.u32 $0x7F, v3  }
0x34: {  	v3 =	vor.u32 v1, v6  }
0x35: {  	v1 =	vld.idx.msk [tilespmem:v5+s13+$0x0], $0xffff  }
0x36: {  	v6 =	vor.u32 $0x80, v5;
	v2 =	vld.idx.msk [tilespmem:v0+s13+$0x0], $0xffff  }
0x37: {  	s10 =	sand.u32 $0x7C00, s3;
	v7 =	vor.u32 $0x80, v0  }
0x38: {  	s1 =	sadd.s32 $0xB000, s10;
	v8 =	vld.idx.msk [tilespmem:v4+s13+$0x0], $0xffff  }
0x39: {  	s8 =	sor.u32 s2, s1;
	v9 =	vor.u32 $0x80, v4;
	v10 =	vld.idx.msk [tilespmem:v3+s13+$0x0], $0xffff  }
0x3a: {  	s11 =	sor.u32 s7, s1;
	v11 =	vor.u32 $0x80, v3;
	[tilespmem:s8+$0x0] =	vst v1  }
0x3b: {  	[tilespmem:s11+$0x0] =	vst v2;
	v1 =	vld.idx.msk [tilespmem:v6+s13+$0x0], $0xffff  }
0x3c: {  	s5 =	sor.u32 s5, s1;
	v2 =	vld.idx.msk [tilespmem:v7+s13+$0x0], $0xffff;
	v6 =	vor.u32 $0x100, v5  }
0x3d: {  	s6 =	sor.u32 s6, s1;
	v7 =	vor.u32 $0x100, v0;
	[tilespmem:s5+$0x0] =	vst v8  }
0x3e: {  	v8 =	vld.idx.msk [tilespmem:v9+s13+$0x0], $0xffff;
	[tilespmem:s6+$0x0] =	vst v10  }
0x3f: {  	v9 =	vor.u32 $0x100, v4;
	v10 =	vld.idx.msk [tilespmem:v11+s13+$0x0], $0xffff  }
0x40: {  	v11 =	vor.u32 $0x100, v3;
	[tilespmem:s8+$0x80] =	vst v1  }
0x41: {  	[tilespmem:s11+$0x80] =	vst v2;
	v1 =	vld.idx.msk [tilespmem:v6+s13+$0x0], $0xffff  }
0x42: {  	v2 =	vld.idx.msk [tilespmem:v7+s13+$0x0], $0xffff;
	v6 =	vor.u32 $0x180, v5  }
0x43: {  	v7 =	vor.u32 $0x180, v0;
	[tilespmem:s5+$0x80] =	vst v8  }
0x44: {  	v8 =	vld.idx.msk [tilespmem:v9+s13+$0x0], $0xffff;
	[tilespmem:s6+$0x80] =	vst v10  }
0x45: {  	s23 =	simm.s32 $0x40;
	v9 =	vor.u32 $0x180, v4;
	v10 =	vld.idx.msk [tilespmem:v11+s13+$0x0], $0xffff  }
0x46: {  	s0 =	sand.u32 $0x40, s23;
	v11 =	vld [tilespmem:s23+$0x0];
	[tilespmem:s8+$0x100] =	vst v1  }
0x47: {  	s9 =	sand.u32 $0xF80, s23;
	s2 =	sor.u32 $0x30, s0;
	[tilespmem:s11+$0x100] =	vst v2;
	v1 =	vld.idx.msk [tilespmem:v6+s13+$0x0], $0xffff  }
0x48: {  	s7 =	sor.u32 s2, s9;
	v2 =	vor.u32 $0x180, v3;
	v6 =	vld.idx.msk [tilespmem:v7+s13+$0x0], $0xffff  }
0x49: {  	s1 =	sor.u32 $0x10, s0;
	v7 =	vor.u32 $0x200, v5;
	[tilespmem:s5+$0x100] =	vst v8;
	v8 =	vld [tilespmem:s7+$0x0]  }
0x4a: {  	s10 =	sor.u32 s1, s9;
	s7 =	sor.u32 $0x20, s0;
	v9 =	vld.idx.msk [tilespmem:v9+s13+$0x0], $0xffff  }
0x4b: {  	v13 =	vld [tilespmem:s10+$0x0];
	v12 =	vor.u32 $0x200, v4;
	s9 =	sor.u32 s7, s9;
	v14 =	vshll.u32 v11, $0x3  }
0x4c: {  	[tilespmem:s6+$0x100] =	vst v10;
	v10 =	vor.u32 $0x200, v0;
	v11 =	vand.u32 $0x7F, v11;
	v15 =	vld [tilespmem:s9+$0x0];
	v14 =	vand.u32 $0xFFFFFC00, v14  }
0x4d: {  	p1 =	por $0x0, $0x0;
	v16 =	vld.idx.msk [tilespmem:v2+s13+$0x0], $0xffff;
	[tilespmem:s8+$0x180] =	vst v1;
	v1 =	vor.u32 v11, v14;
	s8 =	simm.s32 $0x1  }
0x4e: {  	v11 =	vor.u32 $0x200, v3;
	v7 =	vld.idx.msk [tilespmem:v7+s13+$0x0], $0xffff;
	v2 =	vshll.u32 v8, $0x3;
	s8 =	simm.s32 @!p1 $0x0  }
0x4f: {  	v8 =	vand.u32 $0x7F, v8;
	[tilespmem:s5+$0x180] =	vst v9;
	v2 =	vand.u32 $0xFFFFFC00, v2;
	s12 =	sshll.u32 s8, $0x6;
	v9 =	vor.u32 $0x280, v5  }
0x50: {  	v14 =	vor.u32 $0x280, v4;
	[tilespmem:s11+$0x180] =	vst v6;
	v6 =	vld.idx.msk [tilespmem:v12+s13+$0x0], $0xffff;
	v12 =	vshll.u32 v13, $0x3;
	v2 =	vor.u32 v8, v2;
	s4 =	sadd.s32 $0x0, s12  }
0x51: {  	v8 =	vld.idx.msk [tilespmem:v10+s13+$0x0], $0xffff;
	v10 =	vshll.u32 v15, $0x3;
	v13 =	vand.u32 $0x7F, v13;
	v12 =	vand.u32 $0xFFFFFC00, v12;
	s5 =	sadd.s32 $0x30, s4  }
0x52: {  	v10 =	vand.u32 $0xFFFFFC00, v10;
	[tilespmem:s6+$0x180] =	vst v16;
	v17 =	vld.idx.msk [tilespmem:v1+s13+$0x0], $0xffff;
	v21 =	vor.u32 v13, v12;
	v12 =	vand.u32 $0x7F, v15;
	s17 =	sor.u32 $0x200, s5  }
0x53: {  	s6 =	sadd.s32 $0x10, s4;
	v11 =	vld.idx.msk [tilespmem:v11+s13+$0x0], $0xffff;
	v10 =	vor.u32 v12, v10;
	[tilespmem:s17+$0xB000] =	vst v7  }
0x54: {  	s19 =	sor.u32 $0x200, s6;
	v7 =	vor.u32 $0x280, v0;
	v9 =	vld.idx.msk [tilespmem:v9+s13+$0x0], $0xffff  }
0x55: {  	s24 =	simm.s32 $0x200;
	s21 =	sor.u32 $0x200, s4;
	v12 =	vor.u32 $0x280, v3;
	v13 =	vld.idx.msk [tilespmem:v2+s13+$0x0], $0xffff;
	[tilespmem:s19+$0xB000] =	vst v6  }
0x56: {  	s26 =	sand.u32 $0x7C00, s24;
	s8 =	sadd.s32 $0x20, s4;
	[tilespmem:s21+$0xB000] =	vst v8;
	v8 =	vor.u32 $0x80, v1;
	v6 =	vld.idx.msk [tilespmem:v14+s13+$0x0], $0xffff  }
0x57: {  	s9 =	sadd.s32 $0xB000, s26;
	s25 =	sor.u32 $0x200, s8;
	v14 =	vor.u32 $0x300, v5;
	v15 =	vld.idx.msk [tilespmem:v21+s13+$0x0], $0xffff  }
0x58: {  	v16 =	vor.u32 $0x80, v2;
	s19 =	sor.u32 s2, s9;
	s2 =	sor.u32 s0, s9;
	[tilespmem:s25+$0xB000] =	vst v11;
	v18 =	vld.idx.msk [tilespmem:v10+s13+$0x0], $0xffff  }
0x59: {  	s11 =	sor.u32 $0x280, s5;
	v19 =	vor.u32 $0x80, v21;
	[tilespmem:s2+$0x0] =	vst v17;
	v7 =	vld.idx.msk [tilespmem:v7+s13+$0x0], $0xffff  }
0x5a: {  	v11 =	vor.u32 $0x80, v10;
	v12 =	vld.idx.msk [tilespmem:v12+s13+$0x0], $0xffff;
	[tilespmem:s11+$0xB000] =	vst v9  }
0x5b: {  	s12 =	sor.u32 $0x280, s6;
	v9 =	vor.u32 $0x300, v4;
	[tilespmem:s19+$0x0] =	vst v13;
	v8 =	vld.idx.msk [tilespmem:v8+s13+$0x0], $0xffff  }
0x5c: {  	s11 =	sor.u32 s1, s9;
	v13 =	vld.idx.msk [tilespmem:v14+s13+$0x0], $0xffff;
	v14 =	vor.u32 $0x300, v3;
	[tilespmem:s12+$0xB000] =	vst v6  }
0x5d: {  	s29 =	sor.u32 s7, s9;
	v5 =	vor.u32 $0x380, v5;
	v16 =	vld.idx.msk [tilespmem:v16+s13+$0x0], $0xffff;
	[tilespmem:s11+$0x0] =	vst v15  }
0x5e: {  	s17 =	sor.u32 $0x280, s8;
	v17 =	vor.u32 $0x100, v2;
	v15 =	vld.idx.msk [tilespmem:v19+s13+$0x0], $0xffff;
	[tilespmem:s29+$0x0] =	vst v18  }
0x5f: {  	v18 =	vor.u32 $0x100, v1;
	[tilespmem:s17+$0xB000] =	vst v12;
	v20 =	vld.idx.msk [tilespmem:v11+s13+$0x0], $0xffff  }
0x60: {  	s21 =	sor.u32 $0x300, s5;
	v6 =	vor.u32 $0x100, v21;
	v22 =	vld.idx.msk [tilespmem:v9+s13+$0x0], $0xffff;
	[tilespmem:s2+$0x80] =	vst v8  }
0x61: {  	v23 =	vor.u32 $0x100, v10;
	v14 =	vld.idx.msk [tilespmem:v14+s13+$0x0], $0xffff;
	[tilespmem:s21+$0xB000] =	vst v13  }
0x62: {  	[tilespmem:s19+$0x80] =	vst v16;
	v16 =	vor.u32 $0x300, v0;
	v24 =	vld.idx.msk [tilespmem:v5+s13+$0x0], $0xffff  }
0x63: {  	v25 =	vor.u32 $0x380, v4;
	v19 =	vld.idx.msk [tilespmem:v17+s13+$0x0], $0xffff;
	[tilespmem:s11+$0x80] =	vst v15  }
0x64: {  	s26 =	sor.u32 $0x300, s6;
	v4 =	vor.u32 $0x380, v21;
	v17 =	vld.idx.msk [tilespmem:v18+s13+$0x0], $0xffff;
	[tilespmem:s29+$0x80] =	vst v20  }
0x65: {  	s25 =	sor.u32 $0x280, s4;
	v11 =	vor.u32 $0x200, v21;
	v8 =	vor.u32 $0x280, v21;
	v18 =	vld.idx.msk [tilespmem:v6+s13+$0x0], $0xffff;
	[tilespmem:s26+$0xB000] =	vst v22;
	v22 =	vor.u32 $0x180, v2  }
0x66: {  	s28 =	simm.s32 $0x4;
	s30 =	simm.s32 $0x80;
	[tilespmem:s25+$0xB000] =	vst v7;
	v13 =	vor.u32 $0x180, v21;
	v6 =	vor.u32 $0x300, v21;
	v21 =	vor.u32 $0x180, v1;
	v20 =	vld.idx.msk [tilespmem:v23+s13+$0x0], $0xffff  }
0x67: {  	s31 =	sor.u32 $0x380, s6;
	s0 =	sor.u32 $0x300, s4;
	s5 =	sor.u32 $0x380, s5;
	v3 =	vor.u32 $0x380, v3;
	v12 =	vor.u32 $0x180, v10;
	v7 =	vor.u32 $0x280, v10;
	v15 =	vld.idx.msk [tilespmem:v16+s13+$0x0], $0xffff  }
0x68: {  	s1 =	sor.u32 $0x300, s8;
	s25 =	sor.u32 $0x380, s4;
	v9 =	vor.u32 $0x200, v10;
	v5 =	vor.u32 $0x300, v10;
	v10 =	vor.u32 $0x380, v10;
	s26 =	sor.u32 $0x380, s8;
	v16 =	vld.idx.msk [tilespmem:v25+s13+$0x0], $0xffff;
	[tilespmem:s5+$0xB000] =	vst v24  }
.LBB2_2:
0x69: {  	v23 =	vld [tilespmem:s30+$0x0];
	[tilespmem:s19+$0x100] =	vst v19;
	s23 =	sadd.s32 $0x40, s23  }
0x6a: {  	s28 =	sadd.s32 $0x4, s28;
	s21 =	sand.u32 $0x40, s23;
	[tilespmem:s2+$0x100] =	vst v17;
	v17 =	vld.idx.msk [tilespmem:v22+s13+$0x0], $0xffff  }
0x6b: {  	s6 =	sand.u32 $0xF80, s23;
	p2 =	slt.u32 s28, $0xFC;
	s17 =	sor.u32 $0x30, s21;
	v19 =	vld.idx.msk [tilespmem:v21+s13+$0x0], $0xffff;
	[tilespmem:s11+$0x100] =	vst v18  }
0x6c: {  	s5 =	sor.u32 $0x10, s21;
	s4 =	sor.u32 $0x20, s21;
	v18 =	vor.u32 $0x200, v2;
	s7 =	sor.u32 s17, s6;
	v13 =	vld.idx.msk [tilespmem:v13+s13+$0x0], $0xffff;
	[tilespmem:s29+$0x100] =	vst v20  }
0x6d: {  	v21 =	vor.u32 $0x200, v1;
	s8 =	sor.u32 s5, s6;
	s6 =	sor.u32 s4, s6;
	v20 =	vld [tilespmem:s7+$0x0];
	[tilespmem:s1+$0xB000] =	vst v14  }
0x6e: {  	v14 =	vld [tilespmem:s8+$0x0];
	[tilespmem:s0+$0xB000] =	vst v15  }
0x6f: {  	v15 =	vshll.u32 v23, $0x3;
	v22 =	vld [tilespmem:s6+$0x0];
	[tilespmem:s31+$0xB000] =	vst v16  }
0x70: {  	v16 =	vand.u32 $0x7F, v23;
	v15 =	vand.u32 $0xFFFFFC00, v15;
	v12 =	vld.idx.msk [tilespmem:v12+s13+$0x0], $0xffff;
	[tilespmem:s19+$0x180] =	vst v17;
	v17 =	vor.u32 $0x380, v0;
	v0 =	vmovc v1  }
0x71: {  	p1 =	por !p1, !p1;
	s0 =	simm.s32 $0x1;
	v1 =	vor.u32 v16, v15;
	[tilespmem:s2+$0x180] =	vst v19;
	v15 =	vld.idx.msk [tilespmem:v18+s13+$0x0], $0xffff  }
0x72: {  	s0 =	simm.s32 @!p1 $0x0;
	v16 =	vshll.u32 v20, $0x3;
	v18 =	vld.idx.msk [tilespmem:v21+s13+$0x0], $0xffff;
	[tilespmem:s11+$0x180] =	vst v13  }
0x73: {  	s0 =	sshll.u32 s0, $0x6;
	v13 =	vand.u32 $0x7F, v20;
	v16 =	vand.u32 $0xFFFFFC00, v16;
	v19 =	vld.idx.msk [tilespmem:v11+s13+$0x0], $0xffff;
	v11 =	vor.u32 $0x280, v2  }
0x74: {  	s2 =	sadd.s32 s0, s24;
	v20 =	vshll.u32 v14, $0x3;
	v21 =	vshll.u32 v22, $0x3;
	v16 =	vor.u32 v13, v16;
	v23 =	vld.idx.msk [tilespmem:v3+s13+$0x0], $0xffff;
	v3 =	vmovc v10  }
0x75: {  	s11 =	sadd.s32 $0x10, s2;
	s19 =	sadd.s32 $0x20, s2;
	s6 =	sadd.s32 $0x30, s2;
	v10 =	vand.u32 $0x7F, v14;
	v13 =	vand.u32 $0xFFFFFC00, v20;
	v14 =	vand.u32 $0xFFFFFC00, v21;
	v17 =	vld.idx.msk [tilespmem:v17+s13+$0x0], $0xffff  }
0x76: {  	s31 =	sor.u32 $0x200, s11;
	s0 =	sor.u32 $0x200, s6;
	v10 =	vor.u32 v10, v13;
	v13 =	vand.u32 $0x7F, v22;
	v21 =	vor.u32 $0x280, v0;
	v20 =	vld.idx.msk [tilespmem:v1+s13+$0x0], $0xffff;
	[tilespmem:s29+$0x180] =	vst v12;
	s29 =	sor.u32 $0x200, s19  }
0x77: {  	s1 =	sor.u32 $0x200, s2;
	s10 =	sor.u32 $0x280, s11;
	s9 =	sor.u32 $0x280, s19;
	v22 =	vor.u32 $0x80, v10;
	v24 =	vor.u32 $0x100, v10;
	v14 =	vor.u32 v13, v14;
	v25 =	vld.idx.msk [tilespmem:v9+s13+$0x0], $0xffff;
	[tilespmem:s0+$0xB000] =	vst v15  }
0x78: {  	s8 =	sor.u32 $0x280, s2;
	s7 =	sor.u32 $0x300, s11;
	v13 =	vor.u32 $0x180, v10;
	v15 =	vor.u32 $0x80, v14;
	v26 =	vor.u32 $0x100, v14;
	[tilespmem:s1+$0xB000] =	vst v18;
	s1 =	sor.u32 $0x300, s19;
	v18 =	vld.idx.msk [tilespmem:v11+s13+$0x0], $0xffff  }
0x79: {  	v12 =	vor.u32 $0x180, v14;
	v9 =	vor.u32 $0x200, v14;
	s0 =	sor.u32 $0x300, s2;
	v11 =	vor.u32 $0x200, v10;
	v27 =	vld.idx.msk [tilespmem:v16+s13+$0x0], $0xffff;
	[tilespmem:s31+$0xB000] =	vst v19;
	s31 =	sor.u32 $0x380, s11;
	s11 =	sor.u32 $0x380, s19  }
0x7a: {  	v29 =	vor.u32 $0x300, v2;
	s2 =	sor.u32 $0x380, s2;
	v19 =	vor.u32 $0x280, v14;
	v28 =	vld.idx.msk [tilespmem:v8+s13+$0x0], $0xffff;
	v8 =	vor.u32 $0x280, v10;
	[tilespmem:s26+$0xB000] =	vst v23;
	s26 =	smov.u32 s11  }
0x7b: {  	s24 =	sadd.s32 $0x200, s24;
	v32 =	vor.u32 $0x80, v16;
	v30 =	vor.u32 $0x300, v10;
	v31 =	vor.u32 $0x300, v14;
	v23 =	vld.idx.msk [tilespmem:v10+s13+$0x0], $0xffff;
	[tilespmem:s25+$0xB000] =	vst v17;
	s25 =	smov.u32 s2  }
0x7c: {  	v33 =	vor.u32 $0x380, v10;
	s2 =	sand.u32 $0x7C00, s24;
	v17 =	vor.u32 $0x80, v1;
	v10 =	vor.u32 $0x380, v14;
	v34 =	vld.idx.msk [tilespmem:v14+s13+$0x0], $0xffff  }
0x7d: {  	s12 =	sadd.s32 $0xB000, s2;
	v35 =	vld.idx.msk [tilespmem:v21+s13+$0x0], $0xffff;
	[tilespmem:s29+$0xB000] =	vst v25;
	s29 =	sor.u32 $0x280, s6  }
0x7e: {  	s2 =	sor.u32 s21, s12;
	s11 =	sor.u32 s5, s12;
	s19 =	sor.u32 s17, s12;
	v14 =	vld.idx.msk [tilespmem:v7+s13+$0x0], $0xffff;
	[tilespmem:s29+$0xB000] =	vst v18;
	v7 =	vmov v19  }
0x7f: {  	s29 =	sor.u32 s4, s12;
	[tilespmem:s19+$0x0] =	vst v27;
	v18 =	vld.idx.msk [tilespmem:v29+s13+$0x0], $0xffff  }
0x80: {  	[tilespmem:s2+$0x0] =	vst v20;
	v19 =	vld.idx.msk [tilespmem:v32+s13+$0x0], $0xffff  }
0x81: {  	v20 =	vor.u32 $0x380, v2;
	v2 =	vmov v16;
	v17 =	vld.idx.msk [tilespmem:v17+s13+$0x0], $0xffff;
	[tilespmem:s11+$0x0] =	vst v23  }
0x82: {  	v21 =	vor.u32 $0x100, v2;
	v16 =	vld.idx.msk [tilespmem:v22+s13+$0x0], $0xffff;
	[tilespmem:s29+$0x0] =	vst v34  }
0x83: {  	v22 =	vor.u32 $0x100, v1;
	v15 =	vld.idx.msk [tilespmem:v15+s13+$0x0], $0xffff;
	[tilespmem:s10+$0xB000] =	vst v28  }
0x84: {  	s4 =	sor.u32 $0x300, s6;
	v23 =	vld.idx.msk [tilespmem:v6+s13+$0x0], $0xffff;
	[tilespmem:s9+$0xB000] =	vst v14;
	v6 =	vmov v30  }
0x85: {  	v14 =	vld.idx.msk [tilespmem:v5+s13+$0x0], $0xffff;
	[tilespmem:s4+$0xB000] =	vst v18;
	v5 =	vmov v31  }
0x86: {  	v25 =	vor.u32 $0x300, v0;
	[tilespmem:s19+$0x80] =	vst v19;
	v27 =	vld.idx.msk [tilespmem:v20+s13+$0x0], $0xffff  }
0x87: {  	[tilespmem:s2+$0x80] =	vst v17;
	v19 =	vld.idx.msk [tilespmem:v21+s13+$0x0], $0xffff  }
.Ltmp2:
0x88: {  	v17 =	vld.idx.msk [tilespmem:v22+s13+$0x0], $0xffff;
	[tilespmem:s11+$0x80] =	vst v16;
	(pc) =	sbr.rel @p2 .LBB2_2-.Ltmp2, $4  }
0x89: {  	v22 =	vor.u32 $0x180, v2;
	v18 =	vld.idx.msk [tilespmem:v24+s13+$0x0], $0xffff;
	[tilespmem:s29+$0x80] =	vst v15  }
0x8a: {  	v21 =	vor.u32 $0x180, v1;
	v20 =	vld.idx.msk [tilespmem:v26+s13+$0x0], $0xffff;
	[tilespmem:s8+$0xB000] =	vst v35  }
0x8b: {  	s4 =	sor.u32 $0x380, s6;
	v15 =	vld.idx.msk [tilespmem:v25+s13+$0x0], $0xffff;
	[tilespmem:s7+$0xB000] =	vst v23  }
0x8c: {  	s30 =	sadd.s32 $0x40, s30;
	v16 =	vld.idx.msk [tilespmem:v4+s13+$0x0], $0xffff;
	[tilespmem:s4+$0xB000] =	vst v27;
	v4 =	vmov v33  }
0x8d: {  	_ =	sdelay $0x2  }
0x8e: {  	[tilespmem:s19+$0x100] =	vst v19  }
0x8f: {  	v19 =	vld.idx.msk [tilespmem:v22+s13+$0x0], $0xffff;
	[tilespmem:s11+$0x100] =	vst v18  }
0x90: {  	[tilespmem:s2+$0x100] =	vst v17;
	v18 =	vor.u32 $0x200, v2;
	v13 =	vld.idx.msk [tilespmem:v13+s13+$0x0], $0xffff  }
0x91: {  	v17 =	vld.idx.msk [tilespmem:v21+s13+$0x0], $0xffff;
	[tilespmem:s29+$0x100] =	vst v20  }
0x92: {  	v20 =	vor.u32 $0x200, v1;
	v12 =	vld.idx.msk [tilespmem:v12+s13+$0x0], $0xffff;
	_ =	sdelay $0x1  }
0x93: {  	p1 =	por !p1, !p1;
	s4 =	simm.s32 $0x1;
	[tilespmem:s19+$0x180] =	vst v19  }
0x94: {  	s4 =	simm.s32 @!p1 $0x0;
	v18 =	vld.idx.msk [tilespmem:v18+s13+$0x0], $0xffff;
	[tilespmem:s11+$0x180] =	vst v13  }
0x95: {  	s4 =	sshll.u32 s4, $0x6;
	[tilespmem:s2+$0x180] =	vst v17;
	v13 =	vor.u32 $0x280, v2;
	v11 =	vld.idx.msk [tilespmem:v11+s13+$0x0], $0xffff  }
0x96: {  	s2 =	sadd.s32 s4, s24;
	[tilespmem:s29+$0x180] =	vst v12;
	v12 =	vld.idx.msk [tilespmem:v20+s13+$0x0], $0xffff  }
0x97: {  	v17 =	vor.u32 $0x280, v1;
	s4 =	sadd.s32 $0x30, s2;
	v9 =	vld.idx.msk [tilespmem:v9+s13+$0x0], $0xffff  }
0x98: {  	s5 =	sadd.s32 $0x10, s2;
	s6 =	sor.u32 $0x200, s4  }
0x99: {  	s8 =	sor.u32 $0x200, s5;
	[tilespmem:s6+$0xB000] =	vst v18  }
0x9a: {  	s7 =	sadd.s32 $0x20, s2;
	s9 =	sor.u32 $0x200, s2;
	v13 =	vld.idx.msk [tilespmem:v13+s13+$0x0], $0xffff;
	[tilespmem:s8+$0xB000] =	vst v11  }
0x9b: {  	s24 =	sor.u32 $0x200, s7;
	v11 =	vor.u32 $0x300, v2;
	[tilespmem:s9+$0xB000] =	vst v12;
	v8 =	vld.idx.msk [tilespmem:v8+s13+$0x0], $0xffff  }
0x9c: {  	[tilespmem:s24+$0xB000] =	vst v9;
	v9 =	vld.idx.msk [tilespmem:v17+s13+$0x0], $0xffff  }
0x9d: {  	v12 =	vor.u32 $0x300, v1;
	v7 =	vld.idx.msk [tilespmem:v7+s13+$0x0], $0xffff  }
0x9e: {  	[tilespmem:s1+$0xB000] =	vst v14;
	s10 =	sor.u32 $0x280, s4  }
0x9f: {  	s11 =	sor.u32 $0x280, s5;
	[tilespmem:s10+$0xB000] =	vst v13  }
0xa0: {  	v0 =	vor.u32 $0x380, v0;
	s17 =	sor.u32 $0x280, s2;
	v11 =	vld.idx.msk [tilespmem:v11+s13+$0x0], $0xffff;
	[tilespmem:s11+$0xB000] =	vst v8  }
0xa1: {  	s12 =	sor.u32 $0x280, s7;
	v2 =	vor.u32 $0x380, v2;
	[tilespmem:s17+$0xB000] =	vst v9;
	v6 =	vld.idx.msk [tilespmem:v6+s13+$0x0], $0xffff  }
0xa2: {  	[tilespmem:s12+$0xB000] =	vst v7;
	v7 =	vld.idx.msk [tilespmem:v12+s13+$0x0], $0xffff  }
0xa3: {  	[tilespmem:s0+$0xB000] =	vst v15;
	v1 =	vor.u32 $0x380, v1;
	v5 =	vld.idx.msk [tilespmem:v5+s13+$0x0], $0xffff  }
0xa4: {  	v3 =	vld.idx.msk [tilespmem:v3+s13+$0x0], $0xffff;
	[tilespmem:s31+$0xB000] =	vst v16;
	s19 =	sor.u32 $0x300, s4  }
0xa5: {  	v0 =	vld.idx.msk [tilespmem:v0+s13+$0x0], $0xffff;
	s21 =	sor.u32 $0x300, s5;
	[tilespmem:s19+$0xB000] =	vst v11  }
0xa6: {  	s24 =	sor.u32 $0x300, s2;
	v2 =	vld.idx.msk [tilespmem:v2+s13+$0x0], $0xffff;
	[tilespmem:s21+$0xB000] =	vst v6  }
0xa7: {  	s23 =	sor.u32 $0x300, s7;
	[tilespmem:s24+$0xB000] =	vst v7;
	v4 =	vld.idx.msk [tilespmem:v4+s13+$0x0], $0xffff  }
0xa8: {  	[tilespmem:s23+$0xB000] =	vst v5;
	v1 =	vld.idx.msk [tilespmem:v1+s13+$0x0], $0xffff  }
0xa9: {  	[tilespmem:s26+$0xB000] =	vst v3;
	v5 =	vld.idx.msk [tilespmem:v10+s13+$0x0], $0xffff  }
0xaa: {  	[tilespmem:s25+$0xB000] =	vst v0;
	s25 =	sor.u32 $0x380, s4  }
0xab: {  	s26 =	sor.u32 $0x380, s5;
	[tilespmem:s25+$0xB000] =	vst v2  }
0xac: {  	s5 =	sor.u32 $0x380, s2;
	[tilespmem:s26+$0xB000] =	vst v4  }
0xad: {  	s4 =	sor.u32 $0x380, s7;
	[tilespmem:s5+$0xB000] =	vst v1  }
0xae: {  	[tilespmem:s4+$0xB000] =	vst v5  }
0xaf: {  	s6 =	simm.s32 $0x0;
	s8 =	simm.s32 $0xB000;
	s1 =	rddreg [dreg:$0x6]  }
0xb0: {  	[hbm4b:s1+s6] =	stream.linear.scatter [tilespmem:s8], [sflag:$0x4], $0x8000, $0x38;
	[tilespmem:$0x1B000] =	vst v63  }
0xb1: {  	s9 =	rddreg [dreg:$0x7]  }
0xb2: {  	[tilespmem:s13], [sflag:$0x2] =	stream.linear.gather [hbm4b:s9+s6], $0x5000, $0x38;
	[tilespmem:$0x1B000] =	vst v63  }
0xb3: {  	s10 =	sand.u32 $0x40, s6;
	_ =	swait.ge [sflag:s18], $0x5000  }
0xb4: {  	s11 =	sand.u32 $0xF80, s6;
	s12 =	sor.u32 $0x30, s10;
	[sflag:s18] =	ssyncset.done $0x0  }
0xb5: {  	s17 =	sor.u32 s12, s11;
	[sflag:s18] =	ssyncadd.s32 $0xFFFFB000  }
0xb6: {  	v0 =	vld [tilespmem:s17+$0x0]  }
0xb7: {  	s19 =	sor.u32 $0x10, s10;
	v1 =	vld [tilespmem:s6+$0x0]  }
0xb8: {  	s21 =	sor.u32 $0x20, s10;
	s23 =	sor.u32 s19, s11  }
0xb9: {  	s2 =	sor.u32 s21, s11;
	v2 =	vld [tilespmem:s23+$0x0]  }
0xba: {  	v3 =	vld [tilespmem:s2+$0x0]  }
0xbb: {  	v4 =	vshll.u32 v0, $0x3  }
0xbc: {  	v5 =	vshll.u32 v1, $0x3;
	v0 =	vand.u32 $0x7F, v0;
	v4 =	vand.u32 $0xFFFFFC00, v4  }
0xbd: {  	v1 =	vand.u32 $0x7F, v1;
	v6 =	vand.u32 $0xFFFFFC00, v5;
	v5 =	vor.u32 v0, v4  }
0xbe: {  	v0 =	vor.u32 v1, v6;
	v1 =	vshll.u32 v2, $0x3  }
0xbf: {  	v4 =	vshll.u32 v3, $0x3;
	v2 =	vand.u32 $0x7F, v2;
	v1 =	vand.u32 $0xFFFFFC00, v1  }
0xc0: {  	v6 =	vand.u32 $0xFFFFFC00, v4;
	v4 =	vor.u32 v2, v1;
	v1 =	vand.u32 $0x7F, v3  }
0xc1: {  	v3 =	vor.u32 v1, v6  }
0xc2: {  	v1 =	vld.idx.msk [tilespmem:v5+s15+$0x0], $0xffff  }
0xc3: {  	v6 =	vor.u32 $0x80, v5;
	v2 =	vld.idx.msk [tilespmem:v0+s15+$0x0], $0xffff  }
0xc4: {  	s0 =	sand.u32 $0x7C00, s6;
	v7 =	vor.u32 $0x80, v0  }
0xc5: {  	s0 =	sadd.s32 $0x13000, s0;
	v8 =	vld.idx.msk [tilespmem:v4+s15+$0x0], $0xffff  }
0xc6: {  	s24 =	sor.u32 s12, s0;
	v9 =	vor.u32 $0x80, v4;
	v10 =	vld.idx.msk [tilespmem:v3+s15+$0x0], $0xffff  }
0xc7: {  	s25 =	sor.u32 s10, s0;
	v11 =	vor.u32 $0x80, v3;
	[tilespmem:s24+$0x0] =	vst v1  }
0xc8: {  	[tilespmem:s25+$0x0] =	vst v2;
	v1 =	vld.idx.msk [tilespmem:v6+s15+$0x0], $0xffff  }
0xc9: {  	s5 =	sor.u32 s19, s0;
	v2 =	vld.idx.msk [tilespmem:v7+s15+$0x0], $0xffff;
	v6 =	vor.u32 $0x100, v5  }
0xca: {  	s26 =	sor.u32 s21, s0;
	v7 =	vor.u32 $0x100, v0;
	[tilespmem:s5+$0x0] =	vst v8  }
0xcb: {  	v8 =	vld.idx.msk [tilespmem:v9+s15+$0x0], $0xffff;
	[tilespmem:s26+$0x0] =	vst v10  }
0xcc: {  	v9 =	vor.u32 $0x100, v4;
	v10 =	vld.idx.msk [tilespmem:v11+s15+$0x0], $0xffff  }
0xcd: {  	v11 =	vor.u32 $0x100, v3;
	[tilespmem:s24+$0x80] =	vst v1  }
0xce: {  	[tilespmem:s25+$0x80] =	vst v2;
	v1 =	vld.idx.msk [tilespmem:v6+s15+$0x0], $0xffff  }
0xcf: {  	v2 =	vld.idx.msk [tilespmem:v7+s15+$0x0], $0xffff;
	v6 =	vor.u32 $0x180, v5  }
0xd0: {  	v7 =	vor.u32 $0x180, v0;
	[tilespmem:s5+$0x80] =	vst v8  }
0xd1: {  	v8 =	vld.idx.msk [tilespmem:v9+s15+$0x0], $0xffff;
	[tilespmem:s26+$0x80] =	vst v10  }
0xd2: {  	s23 =	simm.s32 $0x40;
	v9 =	vor.u32 $0x180, v4;
	v10 =	vld.idx.msk [tilespmem:v11+s15+$0x0], $0xffff  }
0xd3: {  	s0 =	sand.u32 $0x40, s23;
	v11 =	vld [tilespmem:s23+$0x0];
	[tilespmem:s24+$0x100] =	vst v1  }
0xd4: {  	s9 =	sand.u32 $0xF80, s23;
	s2 =	sor.u32 $0x30, s0;
	[tilespmem:s25+$0x100] =	vst v2;
	v1 =	vld.idx.msk [tilespmem:v6+s15+$0x0], $0xffff  }
0xd5: {  	s11 =	sor.u32 s2, s9;
	v2 =	vor.u32 $0x180, v3;
	v6 =	vld.idx.msk [tilespmem:v7+s15+$0x0], $0xffff  }
0xd6: {  	s1 =	sor.u32 $0x10, s0;
	v7 =	vor.u32 $0x200, v5;
	[tilespmem:s5+$0x100] =	vst v8;
	v8 =	vld [tilespmem:s11+$0x0]  }
0xd7: {  	s6 =	sor.u32 $0x20, s0;
	s10 =	sor.u32 s1, s9;
	v9 =	vld.idx.msk [tilespmem:v9+s15+$0x0], $0xffff  }
0xd8: {  	s9 =	sor.u32 s6, s9;
	v13 =	vld [tilespmem:s10+$0x0];
	v12 =	vor.u32 $0x200, v4;
	v14 =	vshll.u32 v11, $0x3  }
0xd9: {  	v15 =	vld [tilespmem:s9+$0x0];
	[tilespmem:s26+$0x100] =	vst v10;
	v10 =	vor.u32 $0x200, v0;
	v11 =	vand.u32 $0x7F, v11;
	v14 =	vand.u32 $0xFFFFFC00, v14  }
0xda: {  	p1 =	por $0x0, $0x0;
	s8 =	simm.s32 $0x1;
	v16 =	vld.idx.msk [tilespmem:v2+s15+$0x0], $0xffff;
	[tilespmem:s24+$0x180] =	vst v1;
	v1 =	vor.u32 v11, v14  }
0xdb: {  	s8 =	simm.s32 @!p1 $0x0;
	v11 =	vor.u32 $0x200, v3;
	v7 =	vld.idx.msk [tilespmem:v7+s15+$0x0], $0xffff;
	v2 =	vshll.u32 v8, $0x3  }
0xdc: {  	s12 =	sshll.u32 s8, $0x6;
	v8 =	vand.u32 $0x7F, v8;
	[tilespmem:s5+$0x180] =	vst v9;
	v2 =	vand.u32 $0xFFFFFC00, v2;
	v9 =	vor.u32 $0x280, v5  }
0xdd: {  	s4 =	sadd.s32 $0x0, s12;
	v14 =	vor.u32 $0x280, v4;
	[tilespmem:s25+$0x180] =	vst v6;
	v6 =	vld.idx.msk [tilespmem:v12+s15+$0x0], $0xffff;
	v12 =	vshll.u32 v13, $0x3;
	v2 =	vor.u32 v8, v2  }
0xde: {  	s5 =	sadd.s32 $0x30, s4;
	v8 =	vld.idx.msk [tilespmem:v10+s15+$0x0], $0xffff;
	v10 =	vshll.u32 v15, $0x3;
	v13 =	vand.u32 $0x7F, v13;
	v12 =	vand.u32 $0xFFFFFC00, v12  }
0xdf: {  	s17 =	sor.u32 $0x200, s5;
	v10 =	vand.u32 $0xFFFFFC00, v10;
	[tilespmem:s26+$0x180] =	vst v16;
	v17 =	vld.idx.msk [tilespmem:v1+s15+$0x0], $0xffff;
	v21 =	vor.u32 v13, v12;
	v12 =	vand.u32 $0x7F, v15  }
0xe0: {  	s7 =	sadd.s32 $0x10, s4;
	v11 =	vld.idx.msk [tilespmem:v11+s15+$0x0], $0xffff;
	v10 =	vor.u32 v12, v10;
	[tilespmem:s17+$0x13000] =	vst v7  }
0xe1: {  	s19 =	sor.u32 $0x200, s7;
	v7 =	vor.u32 $0x280, v0;
	v9 =	vld.idx.msk [tilespmem:v9+s15+$0x0], $0xffff  }
0xe2: {  	s21 =	sor.u32 $0x200, s4;
	s24 =	simm.s32 $0x200;
	v12 =	vor.u32 $0x280, v3;
	v13 =	vld.idx.msk [tilespmem:v2+s15+$0x0], $0xffff;
	[tilespmem:s19+$0x13000] =	vst v6  }
0xe3: {  	s8 =	sadd.s32 $0x20, s4;
	s26 =	sand.u32 $0x7C00, s24;
	[tilespmem:s21+$0x13000] =	vst v8;
	v8 =	vor.u32 $0x80, v1;
	v6 =	vld.idx.msk [tilespmem:v14+s15+$0x0], $0xffff  }
0xe4: {  	s25 =	sor.u32 $0x200, s8;
	s9 =	sadd.s32 $0x13000, s26;
	v14 =	vor.u32 $0x300, v5;
	v15 =	vld.idx.msk [tilespmem:v21+s15+$0x0], $0xffff  }
0xe5: {  	v16 =	vor.u32 $0x80, v2;
	s19 =	sor.u32 s2, s9;
	s2 =	sor.u32 s0, s9;
	[tilespmem:s25+$0x13000] =	vst v11;
	v18 =	vld.idx.msk [tilespmem:v10+s15+$0x0], $0xffff  }
0xe6: {  	s11 =	sor.u32 $0x280, s5;
	v19 =	vor.u32 $0x80, v21;
	[tilespmem:s2+$0x0] =	vst v17;
	v22 =	vld.idx.msk [tilespmem:v7+s15+$0x0], $0xffff  }
0xe7: {  	v7 =	vor.u32 $0x80, v10;
	v11 =	vld.idx.msk [tilespmem:v12+s15+$0x0], $0xffff;
	[tilespmem:s11+$0x13000] =	vst v9  }
0xe8: {  	s12 =	sor.u32 $0x280, s7;
	v9 =	vor.u32 $0x300, v4;
	[tilespmem:s19+$0x0] =	vst v13;
	v8 =	vld.idx.msk [tilespmem:v8+s15+$0x0], $0xffff  }
0xe9: {  	s11 =	sor.u32 s1, s9;
	v13 =	vor.u32 $0x300, v3;
	v12 =	vld.idx.msk [tilespmem:v14+s15+$0x0], $0xffff;
	[tilespmem:s12+$0x13000] =	vst v6  }
0xea: {  	s29 =	sor.u32 s6, s9;
	v5 =	vor.u32 $0x380, v5;
	v16 =	vld.idx.msk [tilespmem:v16+s15+$0x0], $0xffff;
	[tilespmem:s11+$0x0] =	vst v15  }
0xeb: {  	s17 =	sor.u32 $0x280, s8;
	v17 =	vor.u32 $0x100, v2;
	v15 =	vld.idx.msk [tilespmem:v19+s15+$0x0], $0xffff;
	[tilespmem:s29+$0x0] =	vst v18  }
0xec: {  	s25 =	sor.u32 $0x280, s4;
	v18 =	vor.u32 $0x100, v1;
	[tilespmem:s17+$0x13000] =	vst v11;
	v7 =	vld.idx.msk [tilespmem:v7+s15+$0x0], $0xffff  }
0xed: {  	s21 =	sor.u32 $0x300, s5;
	v6 =	vor.u32 $0x100, v21;
	[tilespmem:s25+$0x13000] =	vst v22;
	v23 =	vld.idx.msk [tilespmem:v9+s15+$0x0], $0xffff  }
0xee: {  	v20 =	vor.u32 $0x100, v10;
	v14 =	vld.idx.msk [tilespmem:v13+s15+$0x0], $0xffff;
	[tilespmem:s21+$0x13000] =	vst v12  }
0xef: {  	[tilespmem:s19+$0x80] =	vst v16;
	v16 =	vor.u32 $0x300, v0;
	v24 =	vld.idx.msk [tilespmem:v5+s15+$0x0], $0xffff  }
0xf0: {  	v25 =	vor.u32 $0x380, v4;
	[tilespmem:s2+$0x80] =	vst v8;
	v19 =	vld.idx.msk [tilespmem:v17+s15+$0x0], $0xffff  }
0xf1: {  	v4 =	vor.u32 $0x380, v21;
	v17 =	vld.idx.msk [tilespmem:v18+s15+$0x0], $0xffff;
	[tilespmem:s11+$0x80] =	vst v15  }
0xf2: {  	v11 =	vor.u32 $0x200, v21;
	v22 =	vor.u32 $0x180, v2;
	v13 =	vor.u32 $0x180, v21;
	v18 =	vld.idx.msk [tilespmem:v6+s15+$0x0], $0xffff;
	[tilespmem:s29+$0x80] =	vst v7  }
0xf3: {  	s28 =	simm.s32 $0x4;
	s30 =	simm.s32 $0x80;
	s26 =	sor.u32 $0x300, s7;
	v8 =	vor.u32 $0x280, v21;
	v6 =	vor.u32 $0x300, v21;
	v21 =	vor.u32 $0x180, v1;
	v20 =	vld.idx.msk [tilespmem:v20+s15+$0x0], $0xffff  }
0xf4: {  	s31 =	sor.u32 $0x380, s7;
	s0 =	sor.u32 $0x300, s4;
	s5 =	sor.u32 $0x380, s5;
	v3 =	vor.u32 $0x380, v3;
	v9 =	vor.u32 $0x200, v10;
	v12 =	vor.u32 $0x180, v10;
	[tilespmem:s26+$0x13000] =	vst v23;
	v15 =	vld.idx.msk [tilespmem:v16+s15+$0x0], $0xffff  }
0xf5: {  	s1 =	sor.u32 $0x300, s8;
	s25 =	sor.u32 $0x380, s4;
	v5 =	vor.u32 $0x300, v10;
	v7 =	vor.u32 $0x280, v10;
	s26 =	sor.u32 $0x380, s8;
	v10 =	vor.u32 $0x380, v10;
	v16 =	vld.idx.msk [tilespmem:v25+s15+$0x0], $0xffff;
	[tilespmem:s5+$0x13000] =	vst v24  }
.LBB2_4:
0xf6: {  	v23 =	vld [tilespmem:s30+$0x0];
	[tilespmem:s19+$0x100] =	vst v19;
	s23 =	sadd.s32 $0x40, s23  }
0xf7: {  	s28 =	sadd.s32 $0x4, s28;
	s21 =	sand.u32 $0x40, s23;
	[tilespmem:s2+$0x100] =	vst v17;
	v17 =	vld.idx.msk [tilespmem:v22+s15+$0x0], $0xffff  }
0xf8: {  	s6 =	sand.u32 $0xF80, s23;
	p2 =	slt.u32 s28, $0xFC;
	s17 =	sor.u32 $0x30, s21;
	v19 =	vld.idx.msk [tilespmem:v21+s15+$0x0], $0xffff;
	[tilespmem:s11+$0x100] =	vst v18  }
0xf9: {  	s5 =	sor.u32 $0x10, s21;
	s4 =	sor.u32 $0x20, s21;
	v18 =	vor.u32 $0x200, v2;
	s7 =	sor.u32 s17, s6;
	v13 =	vld.idx.msk [tilespmem:v13+s15+$0x0], $0xffff;
	[tilespmem:s29+$0x100] =	vst v20  }
0xfa: {  	v21 =	vor.u32 $0x200, v1;
	s8 =	sor.u32 s5, s6;
	s6 =	sor.u32 s4, s6;
	v20 =	vld [tilespmem:s7+$0x0];
	[tilespmem:s1+$0x13000] =	vst v14  }
0xfb: {  	v14 =	vld [tilespmem:s8+$0x0];
	[tilespmem:s0+$0x13000] =	vst v15  }
0xfc: {  	v15 =	vshll.u32 v23, $0x3;
	v22 =	vld [tilespmem:s6+$0x0];
	[tilespmem:s31+$0x13000] =	vst v16  }
0xfd: {  	v16 =	vand.u32 $0x7F, v23;
	v15 =	vand.u32 $0xFFFFFC00, v15;
	v12 =	vld.idx.msk [tilespmem:v12+s15+$0x0], $0xffff;
	[tilespmem:s19+$0x180] =	vst v17;
	v17 =	vor.u32 $0x380, v0;
	v0 =	vmovc v1  }
0xfe: {  	p1 =	por !p1, !p1;
	s0 =	simm.s32 $0x1;
	v1 =	vor.u32 v16, v15;
	[tilespmem:s2+$0x180] =	vst v19;
	v15 =	vld.idx.msk [tilespmem:v18+s15+$0x0], $0xffff  }
0xff: {  	s0 =	simm.s32 @!p1 $0x0;
	v16 =	vshll.u32 v20, $0x3;
	v18 =	vld.idx.msk [tilespmem:v21+s15+$0x0], $0xffff;
	[tilespmem:s11+$0x180] =	vst v13  }
0x100: {  	s0 =	sshll.u32 s0, $0x6;
	v13 =	vand.u32 $0x7F, v20;
	v16 =	vand.u32 $0xFFFFFC00, v16;
	v19 =	vld.idx.msk [tilespmem:v11+s15+$0x0], $0xffff;
	v11 =	vor.u32 $0x280, v2  }
0x101: {  	s2 =	sadd.s32 s0, s24;
	v20 =	vshll.u32 v14, $0x3;
	v21 =	vshll.u32 v22, $0x3;
	v16 =	vor.u32 v13, v16;
	v23 =	vld.idx.msk [tilespmem:v3+s15+$0x0], $0xffff;
	v3 =	vmovc v10  }
0x102: {  	s11 =	sadd.s32 $0x10, s2;
	s12 =	sadd.s32 $0x20, s2;
	s6 =	sadd.s32 $0x30, s2;
	v10 =	vand.u32 $0x7F, v14;
	v13 =	vand.u32 $0xFFFFFC00, v20;
	v14 =	vand.u32 $0xFFFFFC00, v21;
	v17 =	vld.idx.msk [tilespmem:v17+s15+$0x0], $0xffff  }
0x103: {  	s19 =	sor.u32 $0x200, s11;
	s0 =	sor.u32 $0x200, s6;
	v10 =	vor.u32 v10, v13;
	v13 =	vand.u32 $0x7F, v22;
	v21 =	vor.u32 $0x280, v0;
	v20 =	vld.idx.msk [tilespmem:v1+s15+$0x0], $0xffff;
	[tilespmem:s29+$0x180] =	vst v12;
	s29 =	sor.u32 $0x200, s12  }
0x104: {  	s1 =	sor.u32 $0x200, s2;
	s10 =	sor.u32 $0x280, s11;
	s9 =	sor.u32 $0x280, s12;
	v22 =	vor.u32 $0x80, v10;
	v24 =	vor.u32 $0x100, v10;
	v14 =	vor.u32 v13, v14;
	v25 =	vld.idx.msk [tilespmem:v9+s15+$0x0], $0xffff;
	[tilespmem:s0+$0x13000] =	vst v15  }
0x105: {  	s8 =	sor.u32 $0x280, s2;
	s7 =	sor.u32 $0x300, s11;
	v13 =	vor.u32 $0x180, v10;
	v15 =	vor.u32 $0x80, v14;
	v26 =	vor.u32 $0x100, v14;
	[tilespmem:s1+$0x13000] =	vst v18;
	s1 =	sor.u32 $0x300, s12;
	v18 =	vld.idx.msk [tilespmem:v11+s15+$0x0], $0xffff  }
0x106: {  	s31 =	sor.u32 $0x380, s11;
	s11 =	sor.u32 $0x380, s12;
	v12 =	vor.u32 $0x180, v14;
	v9 =	vor.u32 $0x200, v14;
	s0 =	sor.u32 $0x300, s2;
	v11 =	vor.u32 $0x200, v10;
	v27 =	vld.idx.msk [tilespmem:v16+s15+$0x0], $0xffff;
	[tilespmem:s19+$0x13000] =	vst v19  }
0x107: {  	v29 =	vor.u32 $0x300, v2;
	s2 =	sor.u32 $0x380, s2;
	v19 =	vor.u32 $0x280, v14;
	v28 =	vld.idx.msk [tilespmem:v8+s15+$0x0], $0xffff;
	v8 =	vor.u32 $0x280, v10;
	[tilespmem:s26+$0x13000] =	vst v23;
	s26 =	smov.u32 s11  }
0x108: {  	s24 =	sadd.s32 $0x200, s24;
	v32 =	vor.u32 $0x80, v16;
	v30 =	vor.u32 $0x300, v10;
	v31 =	vor.u32 $0x300, v14;
	v23 =	vld.idx.msk [tilespmem:v10+s15+$0x0], $0xffff;
	[tilespmem:s25+$0x13000] =	vst v17;
	s25 =	smov.u32 s2  }
0x109: {  	v33 =	vor.u32 $0x380, v10;
	s2 =	sand.u32 $0x7C00, s24;
	v17 =	vor.u32 $0x80, v1;
	v10 =	vor.u32 $0x380, v14;
	v34 =	vld.idx.msk [tilespmem:v14+s15+$0x0], $0xffff  }
0x10a: {  	s12 =	sadd.s32 $0x13000, s2;
	v35 =	vld.idx.msk [tilespmem:v21+s15+$0x0], $0xffff;
	[tilespmem:s29+$0x13000] =	vst v25;
	s29 =	sor.u32 $0x280, s6  }
0x10b: {  	s2 =	sor.u32 s21, s12;
	s11 =	sor.u32 s5, s12;
	s19 =	sor.u32 s17, s12;
	v14 =	vld.idx.msk [tilespmem:v7+s15+$0x0], $0xffff;
	[tilespmem:s29+$0x13000] =	vst v18;
	v7 =	vmov v19  }
0x10c: {  	s29 =	sor.u32 s4, s12;
	[tilespmem:s19+$0x0] =	vst v27;
	v18 =	vld.idx.msk [tilespmem:v29+s15+$0x0], $0xffff  }
0x10d: {  	[tilespmem:s2+$0x0] =	vst v20;
	v19 =	vld.idx.msk [tilespmem:v32+s15+$0x0], $0xffff  }
0x10e: {  	v20 =	vor.u32 $0x380, v2;
	v2 =	vmov v16;
	v17 =	vld.idx.msk [tilespmem:v17+s15+$0x0], $0xffff;
	[tilespmem:s11+$0x0] =	vst v23  }
0x10f: {  	v21 =	vor.u32 $0x100, v2;
	v16 =	vld.idx.msk [tilespmem:v22+s15+$0x0], $0xffff;
	[tilespmem:s29+$0x0] =	vst v34  }
0x110: {  	v22 =	vor.u32 $0x100, v1;
	v15 =	vld.idx.msk [tilespmem:v15+s15+$0x0], $0xffff;
	[tilespmem:s10+$0x13000] =	vst v28  }
0x111: {  	s4 =	sor.u32 $0x300, s6;
	v23 =	vld.idx.msk [tilespmem:v6+s15+$0x0], $0xffff;
	[tilespmem:s9+$0x13000] =	vst v14;
	v6 =	vmov v30  }
0x112: {  	v14 =	vld.idx.msk [tilespmem:v5+s15+$0x0], $0xffff;
	[tilespmem:s4+$0x13000] =	vst v18;
	v5 =	vmov v31  }
0x113: {  	v25 =	vor.u32 $0x300, v0;
	[tilespmem:s19+$0x80] =	vst v19;
	v27 =	vld.idx.msk [tilespmem:v20+s15+$0x0], $0xffff  }
0x114: {  	[tilespmem:s2+$0x80] =	vst v17;
	v19 =	vld.idx.msk [tilespmem:v21+s15+$0x0], $0xffff  }
.Ltmp3:
0x115: {  	v17 =	vld.idx.msk [tilespmem:v22+s15+$0x0], $0xffff;
	[tilespmem:s11+$0x80] =	vst v16;
	(pc) =	sbr.rel @p2 .LBB2_4-.Ltmp3, $4  }
0x116: {  	v22 =	vor.u32 $0x180, v2;
	v18 =	vld.idx.msk [tilespmem:v24+s15+$0x0], $0xffff;
	[tilespmem:s29+$0x80] =	vst v15  }
0x117: {  	v21 =	vor.u32 $0x180, v1;
	v20 =	vld.idx.msk [tilespmem:v26+s15+$0x0], $0xffff;
	[tilespmem:s8+$0x13000] =	vst v35  }
0x118: {  	s4 =	sor.u32 $0x380, s6;
	v15 =	vld.idx.msk [tilespmem:v25+s15+$0x0], $0xffff;
	[tilespmem:s7+$0x13000] =	vst v23  }
0x119: {  	s30 =	sadd.s32 $0x40, s30;
	v16 =	vld.idx.msk [tilespmem:v4+s15+$0x0], $0xffff;
	[tilespmem:s4+$0x13000] =	vst v27;
	v4 =	vmov v33  }
0x11a: {  	_ =	sdelay $0x2  }
0x11b: {  	[tilespmem:s19+$0x100] =	vst v19  }
0x11c: {  	v19 =	vld.idx.msk [tilespmem:v22+s15+$0x0], $0xffff;
	[tilespmem:s11+$0x100] =	vst v18  }
0x11d: {  	[tilespmem:s2+$0x100] =	vst v17;
	v18 =	vor.u32 $0x200, v2;
	v13 =	vld.idx.msk [tilespmem:v13+s15+$0x0], $0xffff  }
0x11e: {  	v17 =	vld.idx.msk [tilespmem:v21+s15+$0x0], $0xffff;
	[tilespmem:s29+$0x100] =	vst v20  }
0x11f: {  	v20 =	vor.u32 $0x200, v1;
	v12 =	vld.idx.msk [tilespmem:v12+s15+$0x0], $0xffff;
	_ =	sdelay $0x1  }
0x120: {  	p1 =	por !p1, !p1;
	s4 =	simm.s32 $0x1;
	[tilespmem:s19+$0x180] =	vst v19  }
0x121: {  	s4 =	simm.s32 @!p1 $0x0;
	v18 =	vld.idx.msk [tilespmem:v18+s15+$0x0], $0xffff;
	[tilespmem:s11+$0x180] =	vst v13  }
0x122: {  	s4 =	sshll.u32 s4, $0x6;
	[tilespmem:s2+$0x180] =	vst v17;
	v13 =	vor.u32 $0x280, v2;
	v11 =	vld.idx.msk [tilespmem:v11+s15+$0x0], $0xffff  }
0x123: {  	s2 =	sadd.s32 s4, s24;
	[tilespmem:s29+$0x180] =	vst v12;
	v12 =	vld.idx.msk [tilespmem:v20+s15+$0x0], $0xffff  }
0x124: {  	v17 =	vor.u32 $0x280, v1;
	s4 =	sadd.s32 $0x30, s2;
	v9 =	vld.idx.msk [tilespmem:v9+s15+$0x0], $0xffff  }
0x125: {  	s5 =	sadd.s32 $0x10, s2;
	s6 =	sor.u32 $0x200, s4  }
0x126: {  	s8 =	sor.u32 $0x200, s5;
	[tilespmem:s6+$0x13000] =	vst v18  }
0x127: {  	s7 =	sadd.s32 $0x20, s2;
	s9 =	sor.u32 $0x200, s2;
	v13 =	vld.idx.msk [tilespmem:v13+s15+$0x0], $0xffff;
	[tilespmem:s8+$0x13000] =	vst v11  }
0x128: {  	s24 =	sor.u32 $0x200, s7;
	v11 =	vor.u32 $0x300, v2;
	[tilespmem:s9+$0x13000] =	vst v12;
	v8 =	vld.idx.msk [tilespmem:v8+s15+$0x0], $0xffff  }
0x129: {  	[tilespmem:s24+$0x13000] =	vst v9;
	v9 =	vld.idx.msk [tilespmem:v17+s15+$0x0], $0xffff  }
0x12a: {  	v12 =	vor.u32 $0x300, v1;
	v7 =	vld.idx.msk [tilespmem:v7+s15+$0x0], $0xffff  }
0x12b: {  	[tilespmem:s1+$0x13000] =	vst v14;
	s10 =	sor.u32 $0x280, s4  }
0x12c: {  	s11 =	sor.u32 $0x280, s5;
	[tilespmem:s10+$0x13000] =	vst v13  }
0x12d: {  	v0 =	vor.u32 $0x380, v0;
	s17 =	sor.u32 $0x280, s2;
	v11 =	vld.idx.msk [tilespmem:v11+s15+$0x0], $0xffff;
	[tilespmem:s11+$0x13000] =	vst v8  }
0x12e: {  	s12 =	sor.u32 $0x280, s7;
	v2 =	vor.u32 $0x380, v2;
	[tilespmem:s17+$0x13000] =	vst v9;
	v6 =	vld.idx.msk [tilespmem:v6+s15+$0x0], $0xffff  }
0x12f: {  	[tilespmem:s12+$0x13000] =	vst v7;
	v7 =	vld.idx.msk [tilespmem:v12+s15+$0x0], $0xffff  }
0x130: {  	[tilespmem:s0+$0x13000] =	vst v15;
	v1 =	vor.u32 $0x380, v1;
	v5 =	vld.idx.msk [tilespmem:v5+s15+$0x0], $0xffff  }
0x131: {  	v3 =	vld.idx.msk [tilespmem:v3+s15+$0x0], $0xffff;
	[tilespmem:s31+$0x13000] =	vst v16;
	s19 =	sor.u32 $0x300, s4  }
0x132: {  	v0 =	vld.idx.msk [tilespmem:v0+s15+$0x0], $0xffff;
	s21 =	sor.u32 $0x300, s5;
	[tilespmem:s19+$0x13000] =	vst v11  }
0x133: {  	s24 =	sor.u32 $0x300, s2;
	v2 =	vld.idx.msk [tilespmem:v2+s15+$0x0], $0xffff;
	[tilespmem:s21+$0x13000] =	vst v6  }
0x134: {  	s23 =	sor.u32 $0x300, s7;
	[tilespmem:s24+$0x13000] =	vst v7;
	v4 =	vld.idx.msk [tilespmem:v4+s15+$0x0], $0xffff  }
0x135: {  	[tilespmem:s23+$0x13000] =	vst v5;
	v1 =	vld.idx.msk [tilespmem:v1+s15+$0x0], $0xffff  }
0x136: {  	[tilespmem:s26+$0x13000] =	vst v3;
	v5 =	vld.idx.msk [tilespmem:v10+s15+$0x0], $0xffff  }
0x137: {  	s4 =	sor.u32 $0x380, s4;
	[tilespmem:s25+$0x13000] =	vst v0  }
0x138: {  	s6 =	sor.u32 $0x380, s5;
	[tilespmem:s4+$0x13000] =	vst v2  }
0x139: {  	s8 =	sor.u32 $0x380, s2;
	[tilespmem:s6+$0x13000] =	vst v4  }
0x13a: {  	s7 =	sor.u32 $0x380, s7;
	[tilespmem:s8+$0x13000] =	vst v1  }
0x13b: {  	[tilespmem:s7+$0x13000] =	vst v5  }
0x13c: {  	s9 =	simm.s32 $0x13000;
	s0 =	rddreg [dreg:$0x8]  }
0x13d: {  	[hbm4b:s0+s3] =	stream.linear.scatter [tilespmem:s9], [sflag:$0x5], $0x8000, $0x38;
	[tilespmem:$0x1B000] =	vst v63  }
0x13e: {  	s1 =	simm.s32 @!p0 $0x6000;
	s2 =	rddreg [dreg:$0x9];
	s0 =	simm.s32 @!p0 $0x0  }
0x13f: {  	[tilespmem:s1], [sflag:$0x3] =	stream.linear.gather @!p0 [hbm4b:s2+s0], $0x5000, $0x38;
	[tilespmem:$0x1B000] =	vst v63  }
0x140: {  	_ =	swait.ge [sflag:s16], $0x5000  }
0x141: {  	[sflag:s16] =	ssyncset.done $0x0  }
0x142: {  	s10 =	simm.s32 $0x0;
	[sflag:s16] =	ssyncadd.s32 $0xFFFFB000  }
0x143: {  	s11 =	sand.u32 $0x40, s10;
	_ =	swait.ge [sflag:s20], $0x8000  }
0x144: {  	s12 =	sand.u32 $0xF80, s10;
	s17 =	sor.u32 $0x30, s11;
	[sflag:s20] =	ssyncset.done $0x0  }
0x145: {  	s19 =	sor.u32 s17, s12;
	[sflag:s20] =	ssyncadd.s32 $0xFFFF8000  }
0x146: {  	v0 =	vld [tilespmem:s19+$0x0]  }
0x147: {  	s21 =	sor.u32 $0x10, s11;
	v1 =	vld [tilespmem:s10+$0x0]  }
0x148: {  	s23 =	sor.u32 $0x20, s11;
	s24 =	sor.u32 s21, s12  }
0x149: {  	s2 =	sor.u32 s23, s12;
	v2 =	vld [tilespmem:s24+$0x0]  }
0x14a: {  	v3 =	vld [tilespmem:s2+$0x0]  }
0x14b: {  	v4 =	vshll.u32 v0, $0x3  }
0x14c: {  	v5 =	vshll.u32 v1, $0x3;
	v0 =	vand.u32 $0x7F, v0;
	v4 =	vand.u32 $0xFFFFFC00, v4  }
0x14d: {  	v1 =	vand.u32 $0x7F, v1;
	v6 =	vand.u32 $0xFFFFFC00, v5;
	v5 =	vor.u32 v0, v4  }
0x14e: {  	v0 =	vor.u32 v1, v6;
	v1 =	vshll.u32 v2, $0x3  }
0x14f: {  	v4 =	vshll.u32 v3, $0x3;
	v2 =	vand.u32 $0x7F, v2;
	v1 =	vand.u32 $0xFFFFFC00, v1  }
0x150: {  	v6 =	vand.u32 $0xFFFFFC00, v4;
	v4 =	vor.u32 v2, v1;
	v1 =	vand.u32 $0x7F, v3  }
0x151: {  	v3 =	vor.u32 v1, v6  }
0x152: {  	v1 =	vld.idx.msk [tilespmem:v5+s13+$0x0], $0xffff  }
0x153: {  	v6 =	vor.u32 $0x80, v5;
	v2 =	vld.idx.msk [tilespmem:v0+s13+$0x0], $0xffff  }
0x154: {  	s0 =	sand.u32 $0x7C00, s10;
	v7 =	vor.u32 $0x80, v0  }
0x155: {  	s0 =	sadd.s32 $0xB000, s0;
	v8 =	vld.idx.msk [tilespmem:v4+s13+$0x0], $0xffff  }
0x156: {  	s25 =	sor.u32 s17, s0;
	v9 =	vor.u32 $0x80, v4;
	v10 =	vld.idx.msk [tilespmem:v3+s13+$0x0], $0xffff  }
0x157: {  	s26 =	sor.u32 s11, s0;
	v11 =	vor.u32 $0x80, v3;
	[tilespmem:s25+$0x0] =	vst v1  }
0x158: {  	[tilespmem:s26+$0x0] =	vst v2;
	v1 =	vld.idx.msk [tilespmem:v6+s13+$0x0], $0xffff  }
0x159: {  	s5 =	sor.u32 s21, s0;
	v2 =	vld.idx.msk [tilespmem:v7+s13+$0x0], $0xffff;
	v6 =	vor.u32 $0x100, v5  }
0x15a: {  	s6 =	sor.u32 s23, s0;
	v7 =	vor.u32 $0x100, v0;
	[tilespmem:s5+$0x0] =	vst v8  }
0x15b: {  	v8 =	vld.idx.msk [tilespmem:v9+s13+$0x0], $0xffff;
	[tilespmem:s6+$0x0] =	vst v10  }
0x15c: {  	v9 =	vor.u32 $0x100, v4;
	v10 =	vld.idx.msk [tilespmem:v11+s13+$0x0], $0xffff  }
0x15d: {  	v11 =	vor.u32 $0x100, v3;
	[tilespmem:s25+$0x80] =	vst v1  }
0x15e: {  	[tilespmem:s26+$0x80] =	vst v2;
	v1 =	vld.idx.msk [tilespmem:v6+s13+$0x0], $0xffff  }
0x15f: {  	v2 =	vld.idx.msk [tilespmem:v7+s13+$0x0], $0xffff;
	v6 =	vor.u32 $0x180, v5  }
0x160: {  	v7 =	vor.u32 $0x180, v0;
	[tilespmem:s5+$0x80] =	vst v8  }
0x161: {  	v8 =	vld.idx.msk [tilespmem:v9+s13+$0x0], $0xffff;
	[tilespmem:s6+$0x80] =	vst v10  }
0x162: {  	s23 =	simm.s32 $0x40;
	v9 =	vor.u32 $0x180, v4;
	v10 =	vld.idx.msk [tilespmem:v11+s13+$0x0], $0xffff  }
0x163: {  	s0 =	sand.u32 $0x40, s23;
	v11 =	vld [tilespmem:s23+$0x0];
	[tilespmem:s25+$0x100] =	vst v1  }
0x164: {  	s9 =	sand.u32 $0xF80, s23;
	s1 =	sor.u32 $0x30, s0;
	[tilespmem:s26+$0x100] =	vst v2;
	v1 =	vld.idx.msk [tilespmem:v6+s13+$0x0], $0xffff  }
0x165: {  	s11 =	sor.u32 s1, s9;
	v2 =	vor.u32 $0x180, v3;
	v6 =	vld.idx.msk [tilespmem:v7+s13+$0x0], $0xffff  }
0x166: {  	s2 =	sor.u32 $0x10, s0;
	v7 =	vor.u32 $0x200, v5;
	[tilespmem:s5+$0x100] =	vst v8;
	v8 =	vld [tilespmem:s11+$0x0]  }
0x167: {  	s7 =	sor.u32 $0x20, s0;
	s10 =	sor.u32 s2, s9;
	v9 =	vld.idx.msk [tilespmem:v9+s13+$0x0], $0xffff  }
0x168: {  	s9 =	sor.u32 s7, s9;
	v13 =	vld [tilespmem:s10+$0x0];
	v12 =	vor.u32 $0x200, v4;
	v14 =	vshll.u32 v11, $0x3  }
0x169: {  	v15 =	vld [tilespmem:s9+$0x0];
	[tilespmem:s6+$0x100] =	vst v10;
	v10 =	vor.u32 $0x200, v0;
	v11 =	vand.u32 $0x7F, v11;
	v14 =	vand.u32 $0xFFFFFC00, v14  }
0x16a: {  	p1 =	por $0x0, $0x0;
	s8 =	simm.s32 $0x1;
	v16 =	vld.idx.msk [tilespmem:v2+s13+$0x0], $0xffff;
	[tilespmem:s25+$0x180] =	vst v1;
	v1 =	vor.u32 v11, v14  }
0x16b: {  	s8 =	simm.s32 @!p1 $0x0;
	v11 =	vor.u32 $0x200, v3;
	v7 =	vld.idx.msk [tilespmem:v7+s13+$0x0], $0xffff;
	v2 =	vshll.u32 v8, $0x3  }
0x16c: {  	s12 =	sshll.u32 s8, $0x6;
	v8 =	vand.u32 $0x7F, v8;
	[tilespmem:s5+$0x180] =	vst v9;
	v2 =	vand.u32 $0xFFFFFC00, v2;
	v9 =	vor.u32 $0x280, v5  }
0x16d: {  	s4 =	sadd.s32 $0x0, s12;
	v14 =	vor.u32 $0x280, v4;
	[tilespmem:s26+$0x180] =	vst v6;
	v6 =	vld.idx.msk [tilespmem:v12+s13+$0x0], $0xffff;
	v12 =	vshll.u32 v13, $0x3;
	v2 =	vor.u32 v8, v2  }
0x16e: {  	s5 =	sadd.s32 $0x30, s4;
	v8 =	vld.idx.msk [tilespmem:v10+s13+$0x0], $0xffff;
	v10 =	vshll.u32 v15, $0x3;
	v13 =	vand.u32 $0x7F, v13;
	v12 =	vand.u32 $0xFFFFFC00, v12  }
0x16f: {  	s17 =	sor.u32 $0x200, s5;
	v10 =	vand.u32 $0xFFFFFC00, v10;
	[tilespmem:s6+$0x180] =	vst v16;
	v17 =	vld.idx.msk [tilespmem:v1+s13+$0x0], $0xffff;
	v21 =	vor.u32 v13, v12;
	v12 =	vand.u32 $0x7F, v15  }
0x170: {  	s6 =	sadd.s32 $0x10, s4;
	v11 =	vld.idx.msk [tilespmem:v11+s13+$0x0], $0xffff;
	v10 =	vor.u32 v12, v10;
	[tilespmem:s17+$0xB000] =	vst v7  }
0x171: {  	s19 =	sor.u32 $0x200, s6;
	v7 =	vor.u32 $0x280, v0;
	v9 =	vld.idx.msk [tilespmem:v9+s13+$0x0], $0xffff  }
0x172: {  	s21 =	sor.u32 $0x200, s4;
	s24 =	simm.s32 $0x200;
	v12 =	vor.u32 $0x280, v3;
	v13 =	vld.idx.msk [tilespmem:v2+s13+$0x0], $0xffff;
	[tilespmem:s19+$0xB000] =	vst v6  }
0x173: {  	s8 =	sadd.s32 $0x20, s4;
	s26 =	sand.u32 $0x7C00, s24;
	[tilespmem:s21+$0xB000] =	vst v8;
	v8 =	vor.u32 $0x80, v1;
	v6 =	vld.idx.msk [tilespmem:v14+s13+$0x0], $0xffff  }
0x174: {  	s25 =	sor.u32 $0x200, s8;
	s9 =	sadd.s32 $0xB000, s26;
	v14 =	vor.u32 $0x300, v5;
	v15 =	vld.idx.msk [tilespmem:v21+s13+$0x0], $0xffff  }
0x175: {  	v16 =	vor.u32 $0x80, v2;
	s19 =	sor.u32 s1, s9;
	s1 =	sor.u32 s0, s9;
	[tilespmem:s25+$0xB000] =	vst v11;
	v18 =	vld.idx.msk [tilespmem:v10+s13+$0x0], $0xffff  }
0x176: {  	s11 =	sor.u32 $0x280, s5;
	v19 =	vor.u32 $0x80, v21;
	[tilespmem:s1+$0x0] =	vst v17;
	v7 =	vld.idx.msk [tilespmem:v7+s13+$0x0], $0xffff  }
0x177: {  	v11 =	vor.u32 $0x80, v10;
	v12 =	vld.idx.msk [tilespmem:v12+s13+$0x0], $0xffff;
	[tilespmem:s11+$0xB000] =	vst v9  }
0x178: {  	s12 =	sor.u32 $0x280, s6;
	v9 =	vor.u32 $0x300, v4;
	[tilespmem:s19+$0x0] =	vst v13;
	v8 =	vld.idx.msk [tilespmem:v8+s13+$0x0], $0xffff  }
0x179: {  	s11 =	sor.u32 s2, s9;
	v13 =	vld.idx.msk [tilespmem:v14+s13+$0x0], $0xffff;
	v14 =	vor.u32 $0x300, v3;
	[tilespmem:s12+$0xB000] =	vst v6  }
0x17a: {  	s29 =	sor.u32 s7, s9;
	v5 =	vor.u32 $0x380, v5;
	v16 =	vld.idx.msk [tilespmem:v16+s13+$0x0], $0xffff;
	[tilespmem:s11+$0x0] =	vst v15  }
0x17b: {  	s17 =	sor.u32 $0x280, s8;
	v17 =	vor.u32 $0x100, v2;
	v15 =	vld.idx.msk [tilespmem:v19+s13+$0x0], $0xffff;
	[tilespmem:s29+$0x0] =	vst v18  }
0x17c: {  	v18 =	vor.u32 $0x100, v1;
	[tilespmem:s17+$0xB000] =	vst v12;
	v20 =	vld.idx.msk [tilespmem:v11+s13+$0x0], $0xffff  }
0x17d: {  	s21 =	sor.u32 $0x300, s5;
	v6 =	vor.u32 $0x100, v21;
	v22 =	vld.idx.msk [tilespmem:v9+s13+$0x0], $0xffff;
	[tilespmem:s1+$0x80] =	vst v8  }
0x17e: {  	v23 =	vor.u32 $0x100, v10;
	v14 =	vld.idx.msk [tilespmem:v14+s13+$0x0], $0xffff;
	[tilespmem:s21+$0xB000] =	vst v13  }
0x17f: {  	[tilespmem:s19+$0x80] =	vst v16;
	v16 =	vor.u32 $0x300, v0;
	v24 =	vld.idx.msk [tilespmem:v5+s13+$0x0], $0xffff  }
0x180: {  	v25 =	vor.u32 $0x380, v4;
	v19 =	vld.idx.msk [tilespmem:v17+s13+$0x0], $0xffff;
	[tilespmem:s11+$0x80] =	vst v15  }
0x181: {  	s26 =	sor.u32 $0x300, s6;
	v4 =	vor.u32 $0x380, v21;
	v17 =	vld.idx.msk [tilespmem:v18+s13+$0x0], $0xffff;
	[tilespmem:s29+$0x80] =	vst v20  }
0x182: {  	s25 =	sor.u32 $0x280, s4;
	v11 =	vor.u32 $0x200, v21;
	v8 =	vor.u32 $0x280, v21;
	v18 =	vld.idx.msk [tilespmem:v6+s13+$0x0], $0xffff;
	[tilespmem:s26+$0xB000] =	vst v22;
	v22 =	vor.u32 $0x180, v2  }
0x183: {  	s28 =	simm.s32 $0x4;
	s30 =	simm.s32 $0x80;
	[tilespmem:s25+$0xB000] =	vst v7;
	v13 =	vor.u32 $0x180, v21;
	v6 =	vor.u32 $0x300, v21;
	v21 =	vor.u32 $0x180, v1;
	v20 =	vld.idx.msk [tilespmem:v23+s13+$0x0], $0xffff  }
0x184: {  	s31 =	sor.u32 $0x380, s6;
	s0 =	sor.u32 $0x300, s4;
	s5 =	sor.u32 $0x380, s5;
	v3 =	vor.u32 $0x380, v3;
	v12 =	vor.u32 $0x180, v10;
	v7 =	vor.u32 $0x280, v10;
	v15 =	vld.idx.msk [tilespmem:v16+s13+$0x0], $0xffff  }
0x185: {  	s2 =	sor.u32 $0x300, s8;
	s25 =	sor.u32 $0x380, s4;
	v9 =	vor.u32 $0x200, v10;
	v5 =	vor.u32 $0x300, v10;
	v10 =	vor.u32 $0x380, v10;
	s26 =	sor.u32 $0x380, s8;
	v16 =	vld.idx.msk [tilespmem:v25+s13+$0x0], $0xffff;
	[tilespmem:s5+$0xB000] =	vst v24  }
.LBB2_6:
0x186: {  	v23 =	vld [tilespmem:s30+$0x0];
	[tilespmem:s19+$0x100] =	vst v19;
	s23 =	sadd.s32 $0x40, s23  }
0x187: {  	s28 =	sadd.s32 $0x4, s28;
	s21 =	sand.u32 $0x40, s23;
	[tilespmem:s1+$0x100] =	vst v17;
	v17 =	vld.idx.msk [tilespmem:v22+s13+$0x0], $0xffff  }
0x188: {  	s6 =	sand.u32 $0xF80, s23;
	p2 =	slt.u32 s28, $0xFC;
	s17 =	sor.u32 $0x30, s21;
	v19 =	vld.idx.msk [tilespmem:v21+s13+$0x0], $0xffff;
	[tilespmem:s11+$0x100] =	vst v18  }
0x189: {  	s5 =	sor.u32 $0x10, s21;
	s4 =	sor.u32 $0x20, s21;
	v18 =	vor.u32 $0x200, v2;
	s7 =	sor.u32 s17, s6;
	v13 =	vld.idx.msk [tilespmem:v13+s13+$0x0], $0xffff;
	[tilespmem:s29+$0x100] =	vst v20  }
0x18a: {  	v21 =	vor.u32 $0x200, v1;
	s8 =	sor.u32 s5, s6;
	s6 =	sor.u32 s4, s6;
	v20 =	vld [tilespmem:s7+$0x0];
	[tilespmem:s2+$0xB000] =	vst v14  }
0x18b: {  	v14 =	vld [tilespmem:s8+$0x0];
	[tilespmem:s0+$0xB000] =	vst v15  }
0x18c: {  	v15 =	vshll.u32 v23, $0x3;
	v22 =	vld [tilespmem:s6+$0x0];
	[tilespmem:s31+$0xB000] =	vst v16  }
0x18d: {  	v16 =	vand.u32 $0x7F, v23;
	v15 =	vand.u32 $0xFFFFFC00, v15;
	v12 =	vld.idx.msk [tilespmem:v12+s13+$0x0], $0xffff;
	[tilespmem:s19+$0x180] =	vst v17;
	v17 =	vor.u32 $0x380, v0;
	v0 =	vmovc v1  }
0x18e: {  	p1 =	por !p1, !p1;
	s0 =	simm.s32 $0x1;
	v1 =	vor.u32 v16, v15;
	[tilespmem:s1+$0x180] =	vst v19;
	v15 =	vld.idx.msk [tilespmem:v18+s13+$0x0], $0xffff  }
0x18f: {  	s0 =	simm.s32 @!p1 $0x0;
	v16 =	vshll.u32 v20, $0x3;
	v18 =	vld.idx.msk [tilespmem:v21+s13+$0x0], $0xffff;
	[tilespmem:s11+$0x180] =	vst v13  }
0x190: {  	s0 =	sshll.u32 s0, $0x6;
	v13 =	vand.u32 $0x7F, v20;
	v16 =	vand.u32 $0xFFFFFC00, v16;
	v19 =	vld.idx.msk [tilespmem:v11+s13+$0x0], $0xffff;
	v11 =	vor.u32 $0x280, v2  }
0x191: {  	s1 =	sadd.s32 s0, s24;
	v20 =	vshll.u32 v14, $0x3;
	v21 =	vshll.u32 v22, $0x3;
	v16 =	vor.u32 v13, v16;
	v23 =	vld.idx.msk [tilespmem:v3+s13+$0x0], $0xffff;
	v3 =	vmovc v10  }
0x192: {  	s11 =	sadd.s32 $0x10, s1;
	s12 =	sadd.s32 $0x20, s1;
	s6 =	sadd.s32 $0x30, s1;
	v10 =	vand.u32 $0x7F, v14;
	v13 =	vand.u32 $0xFFFFFC00, v20;
	v14 =	vand.u32 $0xFFFFFC00, v21;
	v17 =	vld.idx.msk [tilespmem:v17+s13+$0x0], $0xffff  }
0x193: {  	s19 =	sor.u32 $0x200, s11;
	s0 =	sor.u32 $0x200, s6;
	v10 =	vor.u32 v10, v13;
	v13 =	vand.u32 $0x7F, v22;
	v21 =	vor.u32 $0x280, v0;
	v20 =	vld.idx.msk [tilespmem:v1+s13+$0x0], $0xffff;
	[tilespmem:s29+$0x180] =	vst v12;
	s29 =	sor.u32 $0x200, s12  }
0x194: {  	s2 =	sor.u32 $0x200, s1;
	s10 =	sor.u32 $0x280, s11;
	s9 =	sor.u32 $0x280, s12;
	v22 =	vor.u32 $0x80, v10;
	v24 =	vor.u32 $0x100, v10;
	v14 =	vor.u32 v13, v14;
	v25 =	vld.idx.msk [tilespmem:v9+s13+$0x0], $0xffff;
	[tilespmem:s0+$0xB000] =	vst v15  }
0x195: {  	s8 =	sor.u32 $0x280, s1;
	s7 =	sor.u32 $0x300, s11;
	v13 =	vor.u32 $0x180, v10;
	v15 =	vor.u32 $0x80, v14;
	v26 =	vor.u32 $0x100, v14;
	[tilespmem:s2+$0xB000] =	vst v18;
	s2 =	sor.u32 $0x300, s12;
	v18 =	vld.idx.msk [tilespmem:v11+s13+$0x0], $0xffff  }
0x196: {  	s31 =	sor.u32 $0x380, s11;
	s11 =	sor.u32 $0x380, s12;
	v12 =	vor.u32 $0x180, v14;
	v9 =	vor.u32 $0x200, v14;
	s0 =	sor.u32 $0x300, s1;
	v11 =	vor.u32 $0x200, v10;
	v27 =	vld.idx.msk [tilespmem:v16+s13+$0x0], $0xffff;
	[tilespmem:s19+$0xB000] =	vst v19  }
0x197: {  	v29 =	vor.u32 $0x300, v2;
	s1 =	sor.u32 $0x380, s1;
	v19 =	vor.u32 $0x280, v14;
	v28 =	vld.idx.msk [tilespmem:v8+s13+$0x0], $0xffff;
	v8 =	vor.u32 $0x280, v10;
	[tilespmem:s26+$0xB000] =	vst v23;
	s26 =	smov.u32 s11  }
0x198: {  	s24 =	sadd.s32 $0x200, s24;
	v32 =	vor.u32 $0x80, v16;
	v30 =	vor.u32 $0x300, v10;
	v31 =	vor.u32 $0x300, v14;
	v23 =	vld.idx.msk [tilespmem:v10+s13+$0x0], $0xffff;
	[tilespmem:s25+$0xB000] =	vst v17;
	s25 =	smov.u32 s1  }
0x199: {  	v33 =	vor.u32 $0x380, v10;
	s1 =	sand.u32 $0x7C00, s24;
	v17 =	vor.u32 $0x80, v1;
	v10 =	vor.u32 $0x380, v14;
	v34 =	vld.idx.msk [tilespmem:v14+s13+$0x0], $0xffff  }
0x19a: {  	s12 =	sadd.s32 $0xB000, s1;
	v35 =	vld.idx.msk [tilespmem:v21+s13+$0x0], $0xffff;
	[tilespmem:s29+$0xB000] =	vst v25;
	s29 =	sor.u32 $0x280, s6  }
0x19b: {  	s1 =	sor.u32 s21, s12;
	s11 =	sor.u32 s5, s12;
	s19 =	sor.u32 s17, s12;
	v14 =	vld.idx.msk [tilespmem:v7+s13+$0x0], $0xffff;
	[tilespmem:s29+$0xB000] =	vst v18;
	v7 =	vmov v19  }
0x19c: {  	s29 =	sor.u32 s4, s12;
	[tilespmem:s19+$0x0] =	vst v27;
	v18 =	vld.idx.msk [tilespmem:v29+s13+$0x0], $0xffff  }
0x19d: {  	[tilespmem:s1+$0x0] =	vst v20;
	v19 =	vld.idx.msk [tilespmem:v32+s13+$0x0], $0xffff  }
0x19e: {  	v20 =	vor.u32 $0x380, v2;
	v2 =	vmov v16;
	v17 =	vld.idx.msk [tilespmem:v17+s13+$0x0], $0xffff;
	[tilespmem:s11+$0x0] =	vst v23  }
0x19f: {  	v21 =	vor.u32 $0x100, v2;
	v16 =	vld.idx.msk [tilespmem:v22+s13+$0x0], $0xffff;
	[tilespmem:s29+$0x0] =	vst v34  }
0x1a0: {  	v22 =	vor.u32 $0x100, v1;
	v15 =	vld.idx.msk [tilespmem:v15+s13+$0x0], $0xffff;
	[tilespmem:s10+$0xB000] =	vst v28  }
0x1a1: {  	s4 =	sor.u32 $0x300, s6;
	v23 =	vld.idx.msk [tilespmem:v6+s13+$0x0], $0xffff;
	[tilespmem:s9+$0xB000] =	vst v14;
	v6 =	vmov v30  }
0x1a2: {  	v14 =	vld.idx.msk [tilespmem:v5+s13+$0x0], $0xffff;
	[tilespmem:s4+$0xB000] =	vst v18;
	v5 =	vmov v31  }
0x1a3: {  	v25 =	vor.u32 $0x300, v0;
	[tilespmem:s19+$0x80] =	vst v19;
	v27 =	vld.idx.msk [tilespmem:v20+s13+$0x0], $0xffff  }
0x1a4: {  	[tilespmem:s1+$0x80] =	vst v17;
	v19 =	vld.idx.msk [tilespmem:v21+s13+$0x0], $0xffff  }
.Ltmp4:
0x1a5: {  	v17 =	vld.idx.msk [tilespmem:v22+s13+$0x0], $0xffff;
	[tilespmem:s11+$0x80] =	vst v16;
	(pc) =	sbr.rel @p2 .LBB2_6-.Ltmp4, $4  }
0x1a6: {  	v22 =	vor.u32 $0x180, v2;
	v18 =	vld.idx.msk [tilespmem:v24+s13+$0x0], $0xffff;
	[tilespmem:s29+$0x80] =	vst v15  }
0x1a7: {  	v21 =	vor.u32 $0x180, v1;
	v20 =	vld.idx.msk [tilespmem:v26+s13+$0x0], $0xffff;
	[tilespmem:s8+$0xB000] =	vst v35  }
0x1a8: {  	s4 =	sor.u32 $0x380, s6;
	v15 =	vld.idx.msk [tilespmem:v25+s13+$0x0], $0xffff;
	[tilespmem:s7+$0xB000] =	vst v23  }
0x1a9: {  	s30 =	sadd.s32 $0x40, s30;
	v16 =	vld.idx.msk [tilespmem:v4+s13+$0x0], $0xffff;
	[tilespmem:s4+$0xB000] =	vst v27;
	v4 =	vmov v33  }
0x1aa: {  	_ =	sdelay $0x2  }
0x1ab: {  	[tilespmem:s19+$0x100] =	vst v19  }
0x1ac: {  	[tilespmem:s1+$0x100] =	vst v17;
	v19 =	vld.idx.msk [tilespmem:v22+s13+$0x0], $0xffff  }
0x1ad: {  	v53 =	vor.u32 $0x200, v2;
	[tilespmem:s11+$0x100] =	vst v18;
	v17 =	vld.idx.msk [tilespmem:v21+s13+$0x0], $0xffff  }
0x1ae: {  	v54 =	vor.u32 $0x200, v1;
	v13 =	vld.idx.msk [tilespmem:v13+s13+$0x0], $0xffff;
	[tilespmem:s29+$0x100] =	vst v20  }
0x1af: {  	v12 =	vld.idx.msk [tilespmem:v12+s13+$0x0], $0xffff;
	_ =	sdelay $0x1  }
0x1b0: {  	p1 =	por !p1, !p1;
	s4 =	simm.s32 $0x1;
	[tilespmem:s19+$0x180] =	vst v19  }
0x1b1: {  	s4 =	simm.s32 @!p1 $0x0;
	[tilespmem:s1+$0x180] =	vst v17;
	v18 =	vld.idx.msk [tilespmem:v53+s13+$0x0], $0xffff  }
0x1b2: {  	v55 =	vor.u32 $0x280, v2;
	s4 =	sshll.u32 s4, $0x6;
	[tilespmem:s11+$0x180] =	vst v13;
	v56 =	vld.idx.msk [tilespmem:v54+s13+$0x0], $0xffff  }
0x1b3: {  	v57 =	vor.u32 $0x280, v1;
	s1 =	sadd.s32 s4, s24;
	v11 =	vld.idx.msk [tilespmem:v11+s13+$0x0], $0xffff;
	[tilespmem:s29+$0x180] =	vst v12  }
0x1b4: {  	s4 =	sadd.s32 $0x30, s1;
	v9 =	vld.idx.msk [tilespmem:v9+s13+$0x0], $0xffff  }
0x1b5: {  	s6 =	sor.u32 $0x200, s4  }
0x1b6: {  	s5 =	sadd.s32 $0x10, s1;
	s9 =	sor.u32 $0x200, s1;
	[tilespmem:s6+$0xB000] =	vst v18  }
0x1b7: {  	s7 =	sadd.s32 $0x20, s1;
	s8 =	sor.u32 $0x200, s5;
	[tilespmem:s9+$0xB000] =	vst v56;
	v13 =	vld.idx.msk [tilespmem:v55+s13+$0x0], $0xffff  }
0x1b8: {  	v58 =	vor.u32 $0x300, v2;
	s30 =	sor.u32 $0x200, s7;
	[tilespmem:s8+$0xB000] =	vst v11;
	v59 =	vld.idx.msk [tilespmem:v57+s13+$0x0], $0xffff  }
0x1b9: {  	v60 =	vor.u32 $0x300, v1;
	v8 =	vld.idx.msk [tilespmem:v8+s13+$0x0], $0xffff;
	[tilespmem:s30+$0xB000] =	vst v9  }
0x1ba: {  	v7 =	vld.idx.msk [tilespmem:v7+s13+$0x0], $0xffff  }
0x1bb: {  	[tilespmem:s2+$0xB000] =	vst v14;
	s10 =	sor.u32 $0x280, s4  }
0x1bc: {  	s17 =	sor.u32 $0x280, s1;
	[tilespmem:s10+$0xB000] =	vst v13  }
0x1bd: {  	v0 =	vor.u32 $0x380, v0;
	s11 =	sor.u32 $0x280, s5;
	[tilespmem:s17+$0xB000] =	vst v59;
	v11 =	vld.idx.msk [tilespmem:v58+s13+$0x0], $0xffff  }
0x1be: {  	v61 =	vor.u32 $0x380, v2;
	s12 =	sor.u32 $0x280, s7;
	[tilespmem:s11+$0xB000] =	vst v8;
	v62 =	vld.idx.msk [tilespmem:v60+s13+$0x0], $0xffff  }
0x1bf: {  	v63 =	vor.u32 $0x380, v1;
	v6 =	vld.idx.msk [tilespmem:v6+s13+$0x0], $0xffff;
	[tilespmem:s12+$0xB000] =	vst v7  }
0x1c0: {  	[tilespmem:s0+$0xB000] =	vst v15;
	v5 =	vld.idx.msk [tilespmem:v5+s13+$0x0], $0xffff  }
0x1c1: {  	v3 =	vld.idx.msk [tilespmem:v3+s13+$0x0], $0xffff;
	[tilespmem:s31+$0xB000] =	vst v16;
	s19 =	sor.u32 $0x300, s4  }
0x1c2: {  	v0 =	vld.idx.msk [tilespmem:v0+s13+$0x0], $0xffff;
	s24 =	sor.u32 $0x300, s1;
	[tilespmem:s19+$0xB000] =	vst v11  }
0x1c3: {  	s21 =	sor.u32 $0x300, s5;
	[tilespmem:s24+$0xB000] =	vst v62;
	v2 =	vld.idx.msk [tilespmem:v61+s13+$0x0], $0xffff  }
0x1c4: {  	s23 =	sor.u32 $0x300, s7;
	[tilespmem:s21+$0xB000] =	vst v6;
	v1 =	vld.idx.msk [tilespmem:v63+s13+$0x0], $0xffff  }
0x1c5: {  	v4 =	vld.idx.msk [tilespmem:v4+s13+$0x0], $0xffff;
	[tilespmem:s23+$0xB000] =	vst v5  }
0x1c6: {  	[tilespmem:s26+$0xB000] =	vst v3;
	v5 =	vld.idx.msk [tilespmem:v10+s13+$0x0], $0xffff  }
0x1c7: {  	s28 =	sor.u32 $0x380, s4;
	[tilespmem:s25+$0xB000] =	vst v0  }
0x1c8: {  	s1 =	sor.u32 $0x380, s1;
	[tilespmem:s28+$0xB000] =	vst v2  }
.Ltmp5:
0x1c9: {  	s29 =	sor.u32 $0x380, s5;
	[tilespmem:s1+$0xB000] =	vst v1;
	(pc) =	sbr.rel @p0 .LBB2_8-.Ltmp5, $4  }
0x1ca: {  	s30 =	sor.u32 $0x380, s7;
	[tilespmem:s29+$0xB000] =	vst v4  }
0x1cb: {  	[tilespmem:s30+$0xB000] =	vst v5  }
0x1cc: {  	s31 =	simm.s32 $0xB000;
	s0 =	rddreg [dreg:$0xa]  }
0x1cd: {  	[hbm4b:s0+s3] =	stream.linear.scatter [tilespmem:s31], [sflag:$0x4], $0x8000, $0x38;
	[tilespmem:$0x1B000] =	vst v63  }
0x1ce: {  	_ =	swait.ge [sflag:s18], $0x5000  }
0x1cf: {  	[sflag:s18] =	ssyncset.done $0x0  }
0x1d0: {  	s0 =	simm.s32 $0x0;
	s5 =	simm.s32 $0x5;
	[sflag:s18] =	ssyncadd.s32 $0xFFFFB000  }
0x1d1: {  	s1 =	sand.u32 $0x40, s0;
	_ =	swait.ge [sflag:s5], $0x8000  }
0x1d2: {  	s2 =	sand.u32 $0xF80, s0;
	s4 =	sor.u32 $0x30, s1;
	[sflag:s5] =	ssyncset.done $0x0  }
0x1d3: {  	s23 =	sor.u32 s4, s2;
	[sflag:s5] =	ssyncadd.s32 $0xFFFF8000  }
0x1d4: {  	v0 =	vld [tilespmem:s23+$0x0]  }
0x1d5: {  	s24 =	sor.u32 $0x10, s1;
	v1 =	vld [tilespmem:s0+$0x0]  }
0x1d6: {  	s6 =	sor.u32 $0x20, s1;
	s7 =	sor.u32 s24, s2  }
0x1d7: {  	s2 =	sor.u32 s6, s2;
	v2 =	vld [tilespmem:s7+$0x0]  }
0x1d8: {  	v3 =	vld [tilespmem:s2+$0x0]  }
0x1d9: {  	v4 =	vshll.u32 v0, $0x3  }
0x1da: {  	v5 =	vshll.u32 v1, $0x3;
	v0 =	vand.u32 $0x7F, v0;
	v4 =	vand.u32 $0xFFFFFC00, v4  }
0x1db: {  	v1 =	vand.u32 $0x7F, v1;
	v6 =	vand.u32 $0xFFFFFC00, v5;
	v5 =	vor.u32 v0, v4  }
0x1dc: {  	v0 =	vor.u32 v1, v6;
	v1 =	vshll.u32 v2, $0x3  }
0x1dd: {  	v4 =	vshll.u32 v3, $0x3;
	v2 =	vand.u32 $0x7F, v2;
	v1 =	vand.u32 $0xFFFFFC00, v1  }
0x1de: {  	v6 =	vand.u32 $0xFFFFFC00, v4;
	v4 =	vor.u32 v2, v1;
	v1 =	vand.u32 $0x7F, v3  }
0x1df: {  	v3 =	vor.u32 v1, v6  }
0x1e0: {  	v1 =	vld.idx.msk [tilespmem:v5+s15+$0x0], $0xffff  }
0x1e1: {  	v6 =	vor.u32 $0x80, v5;
	v2 =	vld.idx.msk [tilespmem:v0+s15+$0x0], $0xffff  }
0x1e2: {  	s0 =	sand.u32 $0x7C00, s0;
	v7 =	vor.u32 $0x80, v0  }
0x1e3: {  	s0 =	sadd.s32 $0x13000, s0;
	v8 =	vld.idx.msk [tilespmem:v4+s15+$0x0], $0xffff  }
0x1e4: {  	s8 =	sor.u32 s4, s0;
	v9 =	vor.u32 $0x80, v4;
	v10 =	vld.idx.msk [tilespmem:v3+s15+$0x0], $0xffff  }
0x1e5: {  	s25 =	sor.u32 s1, s0;
	v11 =	vor.u32 $0x80, v3;
	[tilespmem:s8+$0x0] =	vst v1  }
0x1e6: {  	[tilespmem:s25+$0x0] =	vst v2;
	v1 =	vld.idx.msk [tilespmem:v6+s15+$0x0], $0xffff  }
0x1e7: {  	s5 =	sor.u32 s24, s0;
	v2 =	vld.idx.msk [tilespmem:v7+s15+$0x0], $0xffff;
	v6 =	vor.u32 $0x100, v5  }
0x1e8: {  	s26 =	sor.u32 s6, s0;
	v7 =	vor.u32 $0x100, v0;
	[tilespmem:s5+$0x0] =	vst v8  }
0x1e9: {  	v8 =	vld.idx.msk [tilespmem:v9+s15+$0x0], $0xffff;
	[tilespmem:s26+$0x0] =	vst v10  }
0x1ea: {  	v9 =	vor.u32 $0x100, v4;
	v10 =	vld.idx.msk [tilespmem:v11+s15+$0x0], $0xffff  }
0x1eb: {  	v11 =	vor.u32 $0x100, v3;
	[tilespmem:s8+$0x80] =	vst v1  }
0x1ec: {  	[tilespmem:s25+$0x80] =	vst v2;
	v1 =	vld.idx.msk [tilespmem:v6+s15+$0x0], $0xffff  }
0x1ed: {  	v2 =	vld.idx.msk [tilespmem:v7+s15+$0x0], $0xffff;
	v6 =	vor.u32 $0x180, v5  }
0x1ee: {  	v7 =	vor.u32 $0x180, v0;
	[tilespmem:s5+$0x80] =	vst v8  }
0x1ef: {  	v8 =	vld.idx.msk [tilespmem:v9+s15+$0x0], $0xffff;
	[tilespmem:s26+$0x80] =	vst v10  }
0x1f0: {  	s23 =	simm.s32 $0x40;
	v9 =	vor.u32 $0x180, v4;
	v10 =	vld.idx.msk [tilespmem:v11+s15+$0x0], $0xffff  }
0x1f1: {  	s0 =	sand.u32 $0x40, s23;
	v11 =	vld [tilespmem:s23+$0x0];
	[tilespmem:s8+$0x100] =	vst v1  }
0x1f2: {  	s9 =	sand.u32 $0xF80, s23;
	s1 =	sor.u32 $0x30, s0;
	[tilespmem:s25+$0x100] =	vst v2;
	v1 =	vld.idx.msk [tilespmem:v6+s15+$0x0], $0xffff  }
0x1f3: {  	s11 =	sor.u32 s1, s9;
	v2 =	vor.u32 $0x180, v3;
	v6 =	vld.idx.msk [tilespmem:v7+s15+$0x0], $0xffff  }
0x1f4: {  	s2 =	sor.u32 $0x10, s0;
	v7 =	vor.u32 $0x200, v5;
	[tilespmem:s5+$0x100] =	vst v8;
	v8 =	vld [tilespmem:s11+$0x0]  }
0x1f5: {  	s6 =	sor.u32 $0x20, s0;
	s10 =	sor.u32 s2, s9;
	v9 =	vld.idx.msk [tilespmem:v9+s15+$0x0], $0xffff  }
0x1f6: {  	s9 =	sor.u32 s6, s9;
	v13 =	vld [tilespmem:s10+$0x0];
	v12 =	vor.u32 $0x200, v4;
	v14 =	vshll.u32 v11, $0x3  }
0x1f7: {  	v15 =	vld [tilespmem:s9+$0x0];
	[tilespmem:s26+$0x100] =	vst v10;
	v10 =	vor.u32 $0x200, v0;
	v11 =	vand.u32 $0x7F, v11;
	v14 =	vand.u32 $0xFFFFFC00, v14  }
0x1f8: {  	p1 =	por $0x0, $0x0;
	v16 =	vld.idx.msk [tilespmem:v2+s15+$0x0], $0xffff;
	[tilespmem:s8+$0x180] =	vst v1;
	v1 =	vor.u32 v11, v14;
	s8 =	simm.s32 $0x1  }
0x1f9: {  	v11 =	vor.u32 $0x200, v3;
	v7 =	vld.idx.msk [tilespmem:v7+s15+$0x0], $0xffff;
	v2 =	vshll.u32 v8, $0x3;
	s8 =	simm.s32 @!p1 $0x0  }
0x1fa: {  	v8 =	vand.u32 $0x7F, v8;
	[tilespmem:s5+$0x180] =	vst v9;
	v2 =	vand.u32 $0xFFFFFC00, v2;
	s12 =	sshll.u32 s8, $0x6;
	v9 =	vor.u32 $0x280, v5  }
0x1fb: {  	v14 =	vor.u32 $0x280, v4;
	[tilespmem:s25+$0x180] =	vst v6;
	v6 =	vld.idx.msk [tilespmem:v12+s15+$0x0], $0xffff;
	v12 =	vshll.u32 v13, $0x3;
	v2 =	vor.u32 v8, v2;
	s4 =	sadd.s32 $0x0, s12  }
0x1fc: {  	v8 =	vld.idx.msk [tilespmem:v10+s15+$0x0], $0xffff;
	v10 =	vshll.u32 v15, $0x3;
	v13 =	vand.u32 $0x7F, v13;
	v12 =	vand.u32 $0xFFFFFC00, v12;
	s5 =	sadd.s32 $0x30, s4  }
0x1fd: {  	v10 =	vand.u32 $0xFFFFFC00, v10;
	[tilespmem:s26+$0x180] =	vst v16;
	v17 =	vld.idx.msk [tilespmem:v1+s15+$0x0], $0xffff;
	v21 =	vor.u32 v13, v12;
	v12 =	vand.u32 $0x7F, v15;
	s17 =	sor.u32 $0x200, s5  }
0x1fe: {  	s7 =	sadd.s32 $0x10, s4;
	v11 =	vld.idx.msk [tilespmem:v11+s15+$0x0], $0xffff;
	v10 =	vor.u32 v12, v10;
	[tilespmem:s17+$0x13000] =	vst v7  }
0x1ff: {  	s19 =	sor.u32 $0x200, s7;
	v7 =	vor.u32 $0x280, v0;
	v9 =	vld.idx.msk [tilespmem:v9+s15+$0x0], $0xffff  }
0x200: {  	s24 =	simm.s32 $0x200;
	s21 =	sor.u32 $0x200, s4;
	v12 =	vor.u32 $0x280, v3;
	v13 =	vld.idx.msk [tilespmem:v2+s15+$0x0], $0xffff;
	[tilespmem:s19+$0x13000] =	vst v6  }
0x201: {  	s8 =	sadd.s32 $0x20, s4;
	s26 =	sand.u32 $0x7C00, s24;
	[tilespmem:s21+$0x13000] =	vst v8;
	v8 =	vor.u32 $0x80, v1;
	v6 =	vld.idx.msk [tilespmem:v14+s15+$0x0], $0xffff  }
0x202: {  	s25 =	sor.u32 $0x200, s8;
	s9 =	sadd.s32 $0x13000, s26;
	v14 =	vor.u32 $0x300, v5;
	v15 =	vld.idx.msk [tilespmem:v21+s15+$0x0], $0xffff  }
0x203: {  	v16 =	vor.u32 $0x80, v2;
	s19 =	sor.u32 s1, s9;
	s1 =	sor.u32 s0, s9;
	[tilespmem:s25+$0x13000] =	vst v11;
	v18 =	vld.idx.msk [tilespmem:v10+s15+$0x0], $0xffff  }
0x204: {  	s11 =	sor.u32 $0x280, s5;
	v19 =	vor.u32 $0x80, v21;
	[tilespmem:s1+$0x0] =	vst v17;
	v22 =	vld.idx.msk [tilespmem:v7+s15+$0x0], $0xffff  }
0x205: {  	v7 =	vor.u32 $0x80, v10;
	v11 =	vld.idx.msk [tilespmem:v12+s15+$0x0], $0xffff;
	[tilespmem:s11+$0x13000] =	vst v9  }
0x206: {  	s12 =	sor.u32 $0x280, s7;
	v9 =	vor.u32 $0x300, v4;
	[tilespmem:s19+$0x0] =	vst v13;
	v8 =	vld.idx.msk [tilespmem:v8+s15+$0x0], $0xffff  }
0x207: {  	s11 =	sor.u32 s2, s9;
	v13 =	vor.u32 $0x300, v3;
	v12 =	vld.idx.msk [tilespmem:v14+s15+$0x0], $0xffff;
	[tilespmem:s12+$0x13000] =	vst v6  }
0x208: {  	s29 =	sor.u32 s6, s9;
	v5 =	vor.u32 $0x380, v5;
	v16 =	vld.idx.msk [tilespmem:v16+s15+$0x0], $0xffff;
	[tilespmem:s11+$0x0] =	vst v15  }
0x209: {  	s17 =	sor.u32 $0x280, s8;
	v17 =	vor.u32 $0x100, v2;
	v15 =	vld.idx.msk [tilespmem:v19+s15+$0x0], $0xffff;
	[tilespmem:s29+$0x0] =	vst v18  }
0x20a: {  	s25 =	sor.u32 $0x280, s4;
	v18 =	vor.u32 $0x100, v1;
	[tilespmem:s17+$0x13000] =	vst v11;
	v7 =	vld.idx.msk [tilespmem:v7+s15+$0x0], $0xffff  }
0x20b: {  	s21 =	sor.u32 $0x300, s5;
	v6 =	vor.u32 $0x100, v21;
	[tilespmem:s25+$0x13000] =	vst v22;
	v23 =	vld.idx.msk [tilespmem:v9+s15+$0x0], $0xffff  }
0x20c: {  	v20 =	vor.u32 $0x100, v10;
	v14 =	vld.idx.msk [tilespmem:v13+s15+$0x0], $0xffff;
	[tilespmem:s21+$0x13000] =	vst v12  }
0x20d: {  	[tilespmem:s19+$0x80] =	vst v16;
	v16 =	vor.u32 $0x300, v0;
	v24 =	vld.idx.msk [tilespmem:v5+s15+$0x0], $0xffff  }
0x20e: {  	v25 =	vor.u32 $0x380, v4;
	[tilespmem:s1+$0x80] =	vst v8;
	v19 =	vld.idx.msk [tilespmem:v17+s15+$0x0], $0xffff  }
0x20f: {  	v4 =	vor.u32 $0x380, v21;
	v17 =	vld.idx.msk [tilespmem:v18+s15+$0x0], $0xffff;
	[tilespmem:s11+$0x80] =	vst v15  }
0x210: {  	v11 =	vor.u32 $0x200, v21;
	v22 =	vor.u32 $0x180, v2;
	v13 =	vor.u32 $0x180, v21;
	v18 =	vld.idx.msk [tilespmem:v6+s15+$0x0], $0xffff;
	[tilespmem:s29+$0x80] =	vst v7  }
0x211: {  	s28 =	simm.s32 $0x4;
	s30 =	simm.s32 $0x80;
	s26 =	sor.u32 $0x300, s7;
	v8 =	vor.u32 $0x280, v21;
	v6 =	vor.u32 $0x300, v21;
	v21 =	vor.u32 $0x180, v1;
	v20 =	vld.idx.msk [tilespmem:v20+s15+$0x0], $0xffff  }
0x212: {  	s31 =	sor.u32 $0x380, s7;
	s0 =	sor.u32 $0x300, s4;
	s5 =	sor.u32 $0x380, s5;
	v3 =	vor.u32 $0x380, v3;
	v9 =	vor.u32 $0x200, v10;
	v12 =	vor.u32 $0x180, v10;
	[tilespmem:s26+$0x13000] =	vst v23;
	v15 =	vld.idx.msk [tilespmem:v16+s15+$0x0], $0xffff  }
0x213: {  	s2 =	sor.u32 $0x300, s8;
	s25 =	sor.u32 $0x380, s4;
	v5 =	vor.u32 $0x300, v10;
	v7 =	vor.u32 $0x280, v10;
	s26 =	sor.u32 $0x380, s8;
	v10 =	vor.u32 $0x380, v10;
	v16 =	vld.idx.msk [tilespmem:v25+s15+$0x0], $0xffff;
	[tilespmem:s5+$0x13000] =	vst v24  }
.LBB2_10:
0x214: {  	v23 =	vld [tilespmem:s30+$0x0];
	[tilespmem:s19+$0x100] =	vst v19;
	s23 =	sadd.s32 $0x40, s23  }
0x215: {  	s28 =	sadd.s32 $0x4, s28;
	s21 =	sand.u32 $0x40, s23;
	[tilespmem:s1+$0x100] =	vst v17;
	v17 =	vld.idx.msk [tilespmem:v22+s15+$0x0], $0xffff  }
0x216: {  	s6 =	sand.u32 $0xF80, s23;
	p2 =	slt.u32 s28, $0xFC;
	s17 =	sor.u32 $0x30, s21;
	v19 =	vld.idx.msk [tilespmem:v21+s15+$0x0], $0xffff;
	[tilespmem:s11+$0x100] =	vst v18  }
0x217: {  	s5 =	sor.u32 $0x10, s21;
	s4 =	sor.u32 $0x20, s21;
	v18 =	vor.u32 $0x200, v2;
	s7 =	sor.u32 s17, s6;
	v13 =	vld.idx.msk [tilespmem:v13+s15+$0x0], $0xffff;
	[tilespmem:s29+$0x100] =	vst v20  }
0x218: {  	v21 =	vor.u32 $0x200, v1;
	s8 =	sor.u32 s5, s6;
	s6 =	sor.u32 s4, s6;
	v20 =	vld [tilespmem:s7+$0x0];
	[tilespmem:s2+$0x13000] =	vst v14  }
0x219: {  	v14 =	vld [tilespmem:s8+$0x0];
	[tilespmem:s0+$0x13000] =	vst v15  }
0x21a: {  	v15 =	vshll.u32 v23, $0x3;
	v22 =	vld [tilespmem:s6+$0x0];
	[tilespmem:s31+$0x13000] =	vst v16  }
0x21b: {  	v16 =	vand.u32 $0x7F, v23;
	v15 =	vand.u32 $0xFFFFFC00, v15;
	v12 =	vld.idx.msk [tilespmem:v12+s15+$0x0], $0xffff;
	[tilespmem:s19+$0x180] =	vst v17;
	v17 =	vor.u32 $0x380, v0;
	v0 =	vmovc v1  }
0x21c: {  	p1 =	por !p1, !p1;
	s0 =	simm.s32 $0x1;
	v1 =	vor.u32 v16, v15;
	[tilespmem:s1+$0x180] =	vst v19;
	v15 =	vld.idx.msk [tilespmem:v18+s15+$0x0], $0xffff  }
0x21d: {  	s0 =	simm.s32 @!p1 $0x0;
	v16 =	vshll.u32 v20, $0x3;
	v18 =	vld.idx.msk [tilespmem:v21+s15+$0x0], $0xffff;
	[tilespmem:s11+$0x180] =	vst v13  }
0x21e: {  	s0 =	sshll.u32 s0, $0x6;
	v13 =	vand.u32 $0x7F, v20;
	v16 =	vand.u32 $0xFFFFFC00, v16;
	v19 =	vld.idx.msk [tilespmem:v11+s15+$0x0], $0xffff;
	v11 =	vor.u32 $0x280, v2  }
0x21f: {  	s1 =	sadd.s32 s0, s24;
	v20 =	vshll.u32 v14, $0x3;
	v21 =	vshll.u32 v22, $0x3;
	v16 =	vor.u32 v13, v16;
	v23 =	vld.idx.msk [tilespmem:v3+s15+$0x0], $0xffff;
	v3 =	vmovc v10  }
0x220: {  	s11 =	sadd.s32 $0x10, s1;
	s12 =	sadd.s32 $0x20, s1;
	s6 =	sadd.s32 $0x30, s1;
	v10 =	vand.u32 $0x7F, v14;
	v13 =	vand.u32 $0xFFFFFC00, v20;
	v14 =	vand.u32 $0xFFFFFC00, v21;
	v17 =	vld.idx.msk [tilespmem:v17+s15+$0x0], $0xffff  }
0x221: {  	s19 =	sor.u32 $0x200, s11;
	s0 =	sor.u32 $0x200, s6;
	v10 =	vor.u32 v10, v13;
	v13 =	vand.u32 $0x7F, v22;
	v21 =	vor.u32 $0x280, v0;
	v20 =	vld.idx.msk [tilespmem:v1+s15+$0x0], $0xffff;
	[tilespmem:s29+$0x180] =	vst v12;
	s29 =	sor.u32 $0x200, s12  }
0x222: {  	s2 =	sor.u32 $0x200, s1;
	s10 =	sor.u32 $0x280, s11;
	s9 =	sor.u32 $0x280, s12;
	v22 =	vor.u32 $0x80, v10;
	v24 =	vor.u32 $0x100, v10;
	v14 =	vor.u32 v13, v14;
	v25 =	vld.idx.msk [tilespmem:v9+s15+$0x0], $0xffff;
	[tilespmem:s0+$0x13000] =	vst v15  }
0x223: {  	s8 =	sor.u32 $0x280, s1;
	s7 =	sor.u32 $0x300, s11;
	v13 =	vor.u32 $0x180, v10;
	v15 =	vor.u32 $0x80, v14;
	v26 =	vor.u32 $0x100, v14;
	[tilespmem:s2+$0x13000] =	vst v18;
	s2 =	sor.u32 $0x300, s12;
	v18 =	vld.idx.msk [tilespmem:v11+s15+$0x0], $0xffff  }
0x224: {  	s31 =	sor.u32 $0x380, s11;
	s11 =	sor.u32 $0x380, s12;
	v12 =	vor.u32 $0x180, v14;
	v9 =	vor.u32 $0x200, v14;
	s0 =	sor.u32 $0x300, s1;
	v11 =	vor.u32 $0x200, v10;
	v27 =	vld.idx.msk [tilespmem:v16+s15+$0x0], $0xffff;
	[tilespmem:s19+$0x13000] =	vst v19  }
0x225: {  	v29 =	vor.u32 $0x300, v2;
	s1 =	sor.u32 $0x380, s1;
	v19 =	vor.u32 $0x280, v14;
	v28 =	vld.idx.msk [tilespmem:v8+s15+$0x0], $0xffff;
	v8 =	vor.u32 $0x280, v10;
	[tilespmem:s26+$0x13000] =	vst v23;
	s26 =	smov.u32 s11  }
0x226: {  	s24 =	sadd.s32 $0x200, s24;
	v32 =	vor.u32 $0x80, v16;
	v30 =	vor.u32 $0x300, v10;
	v31 =	vor.u32 $0x300, v14;
	v23 =	vld.idx.msk [tilespmem:v10+s15+$0x0], $0xffff;
	[tilespmem:s25+$0x13000] =	vst v17;
	s25 =	smov.u32 s1  }
0x227: {  	v33 =	vor.u32 $0x380, v10;
	s1 =	sand.u32 $0x7C00, s24;
	v17 =	vor.u32 $0x80, v1;
	v10 =	vor.u32 $0x380, v14;
	v34 =	vld.idx.msk [tilespmem:v14+s15+$0x0], $0xffff  }
0x228: {  	s12 =	sadd.s32 $0x13000, s1;
	v35 =	vld.idx.msk [tilespmem:v21+s15+$0x0], $0xffff;
	[tilespmem:s29+$0x13000] =	vst v25;
	s29 =	sor.u32 $0x280, s6  }
0x229: {  	s1 =	sor.u32 s21, s12;
	s11 =	sor.u32 s5, s12;
	s19 =	sor.u32 s17, s12;
	v14 =	vld.idx.msk [tilespmem:v7+s15+$0x0], $0xffff;
	[tilespmem:s29+$0x13000] =	vst v18;
	v7 =	vmov v19  }
0x22a: {  	s29 =	sor.u32 s4, s12;
	[tilespmem:s19+$0x0] =	vst v27;
	v18 =	vld.idx.msk [tilespmem:v29+s15+$0x0], $0xffff  }
0x22b: {  	[tilespmem:s1+$0x0] =	vst v20;
	v19 =	vld.idx.msk [tilespmem:v32+s15+$0x0], $0xffff  }
0x22c: {  	v20 =	vor.u32 $0x380, v2;
	v2 =	vmov v16;
	v17 =	vld.idx.msk [tilespmem:v17+s15+$0x0], $0xffff;
	[tilespmem:s11+$0x0] =	vst v23  }
0x22d: {  	v21 =	vor.u32 $0x100, v2;
	v16 =	vld.idx.msk [tilespmem:v22+s15+$0x0], $0xffff;
	[tilespmem:s29+$0x0] =	vst v34  }
0x22e: {  	v22 =	vor.u32 $0x100, v1;
	v15 =	vld.idx.msk [tilespmem:v15+s15+$0x0], $0xffff;
	[tilespmem:s10+$0x13000] =	vst v28  }
0x22f: {  	s4 =	sor.u32 $0x300, s6;
	v23 =	vld.idx.msk [tilespmem:v6+s15+$0x0], $0xffff;
	[tilespmem:s9+$0x13000] =	vst v14;
	v6 =	vmov v30  }
0x230: {  	v14 =	vld.idx.msk [tilespmem:v5+s15+$0x0], $0xffff;
	[tilespmem:s4+$0x13000] =	vst v18;
	v5 =	vmov v31  }
0x231: {  	v25 =	vor.u32 $0x300, v0;
	[tilespmem:s19+$0x80] =	vst v19;
	v27 =	vld.idx.msk [tilespmem:v20+s15+$0x0], $0xffff  }
0x232: {  	[tilespmem:s1+$0x80] =	vst v17;
	v19 =	vld.idx.msk [tilespmem:v21+s15+$0x0], $0xffff  }
.Ltmp6:
0x233: {  	v17 =	vld.idx.msk [tilespmem:v22+s15+$0x0], $0xffff;
	[tilespmem:s11+$0x80] =	vst v16;
	(pc) =	sbr.rel @p2 .LBB2_10-.Ltmp6, $4  }
0x234: {  	v22 =	vor.u32 $0x180, v2;
	v18 =	vld.idx.msk [tilespmem:v24+s15+$0x0], $0xffff;
	[tilespmem:s29+$0x80] =	vst v15  }
0x235: {  	v21 =	vor.u32 $0x180, v1;
	v20 =	vld.idx.msk [tilespmem:v26+s15+$0x0], $0xffff;
	[tilespmem:s8+$0x13000] =	vst v35  }
0x236: {  	s4 =	sor.u32 $0x380, s6;
	v15 =	vld.idx.msk [tilespmem:v25+s15+$0x0], $0xffff;
	[tilespmem:s7+$0x13000] =	vst v23  }
0x237: {  	s30 =	sadd.s32 $0x40, s30;
	v16 =	vld.idx.msk [tilespmem:v4+s15+$0x0], $0xffff;
	[tilespmem:s4+$0x13000] =	vst v27;
	v4 =	vmov v33  }
0x238: {  	_ =	sdelay $0x2  }
0x239: {  	[tilespmem:s19+$0x100] =	vst v19  }
0x23a: {  	[tilespmem:s1+$0x100] =	vst v17;
	v19 =	vld.idx.msk [tilespmem:v22+s15+$0x0], $0xffff  }
0x23b: {  	v53 =	vor.u32 $0x200, v2;
	[tilespmem:s11+$0x100] =	vst v18;
	v17 =	vld.idx.msk [tilespmem:v21+s15+$0x0], $0xffff  }
0x23c: {  	v54 =	vor.u32 $0x200, v1;
	v13 =	vld.idx.msk [tilespmem:v13+s15+$0x0], $0xffff;
	[tilespmem:s29+$0x100] =	vst v20  }
0x23d: {  	v12 =	vld.idx.msk [tilespmem:v12+s15+$0x0], $0xffff;
	_ =	sdelay $0x1  }
0x23e: {  	p1 =	por !p1, !p1;
	s4 =	simm.s32 $0x1;
	[tilespmem:s19+$0x180] =	vst v19  }
0x23f: {  	s4 =	simm.s32 @!p1 $0x0;
	[tilespmem:s1+$0x180] =	vst v17;
	v18 =	vld.idx.msk [tilespmem:v53+s15+$0x0], $0xffff  }
0x240: {  	v55 =	vor.u32 $0x280, v2;
	s4 =	sshll.u32 s4, $0x6;
	[tilespmem:s11+$0x180] =	vst v13;
	v56 =	vld.idx.msk [tilespmem:v54+s15+$0x0], $0xffff  }
0x241: {  	v57 =	vor.u32 $0x280, v1;
	s1 =	sadd.s32 s4, s24;
	v11 =	vld.idx.msk [tilespmem:v11+s15+$0x0], $0xffff;
	[tilespmem:s29+$0x180] =	vst v12  }
0x242: {  	s4 =	sadd.s32 $0x30, s1;
	v9 =	vld.idx.msk [tilespmem:v9+s15+$0x0], $0xffff  }
0x243: {  	s6 =	sor.u32 $0x200, s4  }
0x244: {  	s5 =	sadd.s32 $0x10, s1;
	s9 =	sor.u32 $0x200, s1;
	[tilespmem:s6+$0x13000] =	vst v18  }
0x245: {  	s7 =	sadd.s32 $0x20, s1;
	s8 =	sor.u32 $0x200, s5;
	[tilespmem:s9+$0x13000] =	vst v56;
	v13 =	vld.idx.msk [tilespmem:v55+s15+$0x0], $0xffff  }
0x246: {  	v58 =	vor.u32 $0x300, v2;
	s30 =	sor.u32 $0x200, s7;
	[tilespmem:s8+$0x13000] =	vst v11;
	v59 =	vld.idx.msk [tilespmem:v57+s15+$0x0], $0xffff  }
0x247: {  	v60 =	vor.u32 $0x300, v1;
	v8 =	vld.idx.msk [tilespmem:v8+s15+$0x0], $0xffff;
	[tilespmem:s30+$0x13000] =	vst v9  }
0x248: {  	v7 =	vld.idx.msk [tilespmem:v7+s15+$0x0], $0xffff  }
0x249: {  	[tilespmem:s2+$0x13000] =	vst v14;
	s10 =	sor.u32 $0x280, s4  }
0x24a: {  	s17 =	sor.u32 $0x280, s1;
	[tilespmem:s10+$0x13000] =	vst v13  }
0x24b: {  	v0 =	vor.u32 $0x380, v0;
	s11 =	sor.u32 $0x280, s5;
	[tilespmem:s17+$0x13000] =	vst v59;
	v11 =	vld.idx.msk [tilespmem:v58+s15+$0x0], $0xffff  }
0x24c: {  	v61 =	vor.u32 $0x380, v2;
	s12 =	sor.u32 $0x280, s7;
	[tilespmem:s11+$0x13000] =	vst v8;
	v62 =	vld.idx.msk [tilespmem:v60+s15+$0x0], $0xffff  }
0x24d: {  	v63 =	vor.u32 $0x380, v1;
	v6 =	vld.idx.msk [tilespmem:v6+s15+$0x0], $0xffff;
	[tilespmem:s12+$0x13000] =	vst v7  }
0x24e: {  	[tilespmem:s0+$0x13000] =	vst v15;
	v5 =	vld.idx.msk [tilespmem:v5+s15+$0x0], $0xffff  }
0x24f: {  	v3 =	vld.idx.msk [tilespmem:v3+s15+$0x0], $0xffff;
	[tilespmem:s31+$0x13000] =	vst v16;
	s19 =	sor.u32 $0x300, s4  }
0x250: {  	v0 =	vld.idx.msk [tilespmem:v0+s15+$0x0], $0xffff;
	s24 =	sor.u32 $0x300, s1;
	[tilespmem:s19+$0x13000] =	vst v11  }
0x251: {  	s21 =	sor.u32 $0x300, s5;
	[tilespmem:s24+$0x13000] =	vst v62;
	v2 =	vld.idx.msk [tilespmem:v61+s15+$0x0], $0xffff  }
0x252: {  	s23 =	sor.u32 $0x300, s7;
	[tilespmem:s21+$0x13000] =	vst v6;
	v1 =	vld.idx.msk [tilespmem:v63+s15+$0x0], $0xffff  }
0x253: {  	v4 =	vld.idx.msk [tilespmem:v4+s15+$0x0], $0xffff;
	[tilespmem:s23+$0x13000] =	vst v5  }
0x254: {  	[tilespmem:s26+$0x13000] =	vst v3;
	v5 =	vld.idx.msk [tilespmem:v10+s15+$0x0], $0xffff  }
0x255: {  	s28 =	sor.u32 $0x380, s4;
	[tilespmem:s25+$0x13000] =	vst v0  }
0x256: {  	s1 =	sor.u32 $0x380, s1;
	[tilespmem:s28+$0x13000] =	vst v2  }
0x257: {  	s29 =	sor.u32 $0x380, s5;
	[tilespmem:s1+$0x13000] =	vst v1  }
.Ltmp7:
0x258: {  	s30 =	sor.u32 $0x380, s7;
	[tilespmem:s29+$0x13000] =	vst v4;
	(pc) =	sbr.rel .LBB2_12-.Ltmp7, $4  }
0x259: {  	[tilespmem:s30+$0x13000] =	vst v5  }
0x25a: {  	s31 =	simm.s32 $0x13000;
	s0 =	rddreg [dreg:$0xb]  }
0x25b: {  	[hbm4b:s0+s3] =	stream.linear.scatter [tilespmem:s31], [sflag:$0x5], $0x8000, $0x38;
	[tilespmem:$0x1B000] =	vst v63  }
0x25c: {  	s1 =	simm.s32 $0x4;
	s0 =	simm.s32 $0x5  }
.LBB2_13:
0x25d: {  	_ =	sfence.sel $0x180000  }
0x25e: {  	[bflag:$0x0] =	sbarrier.arrive $0xFFFF  }
0x25f: {  	_ =	strace $0x90000047  }
0x260: {  	s0 =	stileid.u32;
	[bflag:$0x2] =	sbarrier.arrive $0xFFFF  }
0x261: {  	p0 =	sne.s32 s0, $0x0;
	s0 =	rddreg [dreg:$0x3]  }
0x262: {  	s0 =	sadd.s32 @!p0 $0x100000, s0  }
0x263: {  	[sflag:s0] =	ssyncadd.tile.s32 @!p0 $0x1;
	_ =	shalt  }
.Lfunc_end2:
_tile_overlayer_lowered:
.L_overlay_start_2:
0x264: {  	(tag) =	ssettag $0x2  }
0x265: {  	s0 =	rddreg [dreg:$0x0];
	s2 =	stileid.u32  }
0x266: {  	s1 =	rddreg [dreg:$0x1];
	p0 =	sne.s32 s2, $0x0  }
0x267: {  	s3 =	rddreg [dreg:$0x2];
	[bflag:$0x3] =	sbarrier.arrive $0xFFFF;
	s2 =	simm.s32 @!p0 $0x1C06  }
0x268: {  	[timem:s3], [sflag:s2] =	dma.local @!p0 [hbm:s0], s1  }
0x269: {  	s0 =	simm.s32 @!p0 $0x6  }
0x26a: {  	_ =	swait.ge @!p0 [sflag:s0], s1  }
0x26b: {  	s1 =	ssub.s32 @!p0 $0x0, s1;
	[sflag:s0] =	ssyncset.done @!p0 $0x0  }
0x26c: {  	[sflag:s0] =	ssyncadd.s32 @!p0 s1  }
0x26d: {  	[bflag:$0x3] =	sbarrier.arrive $0xFFFF  }
0x26e: {  	_ =	shalt  }

</sc_bundles>
